<compile_context>
chip_gen: v7x
topology: tpu7x:2x2x1
jax: 0.10.2.dev20260603
libtpu: 0.0.44.dev20260713+nightly
codegen_flags: <defaults>
</compile_context>

<pallas_src>
import functools

import jax
import jax.numpy as jnp
from jax import lax
from jax.experimental import pallas as pl
from jax.experimental.pallas import tpu as pltpu
from jax.experimental.pallas import tpu_sc as plsc

N = 10000
E = 320000
D = 128
DG = 3 * D

NC = 2
NS = 16
NW = NC * NS
C = 128
TOTAL_CHUNKS = E // C
CH_HI = 80
CH_LO = 76
NEXTRA_W = 17
NPAD = 10240
RPT = NPAD // NS

R = 1000
GRID = N // R



def _dotT(a, w):
    return lax.dot_general(a.astype(jnp.bfloat16), w.astype(jnp.bfloat16),
                           (((1,), (1,)), ((), ())),
                           preferred_element_type=jnp.float32)


def _stage1_body(x_ref, h_ref, fcw_ref, b_ref, ggc_ref, xx_ref, m_ref):
    xx = _dotT(x_ref[...], fcw_ref[:, :D]) + _dotT(h_ref[...], fcw_ref[:, D:])
    xx = jnp.maximum(xx + b_ref[...], 0.0)
    xx_ref[...] = xx
    m_ref[...] = jnp.dot(xx.astype(jnp.bfloat16),
                         ggc_ref[...].astype(jnp.bfloat16),
                         preferred_element_type=jnp.float32)


_stage1 = pl.pallas_call(
    _stage1_body,
    grid=(GRID,),
    in_specs=[
        pl.BlockSpec((R, D), lambda i: (i, 0)),
        pl.BlockSpec((R, D), lambda i: (i, 0)),
        pl.BlockSpec((D, 2 * D), lambda i: (0, 0)),
        pl.BlockSpec((1, D), lambda i: (0, 0)),
        pl.BlockSpec((D, D), lambda i: (0, 0)),
    ],
    out_specs=[
        pl.BlockSpec((R, D), lambda i: (i, 0)),
        pl.BlockSpec((R, D), lambda i: (i, 0)),
    ],
    out_shape=[
        jax.ShapeDtypeStruct((N, D), jnp.float32),
        jax.ShapeDtypeStruct((N, D), jnp.float32),
    ],
)


def _gh_body(xx_ref, whh_ref, bhh_ref, gh_ref):
    gh_ref[...] = (_dotT(xx_ref[...], whh_ref[...])
                   + bhh_ref[...]).astype(jnp.bfloat16)


_gh = pl.pallas_call(
    _gh_body,
    grid=(GRID,),
    in_specs=[
        pl.BlockSpec((R, D), lambda i: (i, 0)),
        pl.BlockSpec((DG, D), lambda i: (0, 0)),
        pl.BlockSpec((1, DG), lambda i: (0, 0)),
    ],
    out_specs=pl.BlockSpec((R, DG), lambda i: (i, 0)),
    out_shape=jax.ShapeDtypeStruct((N, DG), jnp.bfloat16),
)



def _sc_body(m_hbm, src_hbm, dst_hbm, zeros_hbm, out0, out1,
             sidx, didx, rows0, rows1, gsem0, gsem1, isem0, isem1, acc_sh):
    c = lax.axis_index("c")
    s = lax.axis_index("s")
    wid = s * NC + c
    r0 = s * RPT
    in_hi = wid < NEXTRA_W
    start = jnp.where(in_hi, wid * CH_HI,
                      NEXTRA_W * CH_HI + (wid - NEXTRA_W) * CH_LO)
    HALF = jnp.where(in_hi, CH_HI // 2, CH_LO // 2)

    rows = (rows0, rows1)
    gsem = (gsem0, gsem1)
    isem = (isem0, isem1)

    def _chunk_off(b, k):
        return (start + 2 * k + b) * C

    with jax.named_scope("sc_preamble"):
        for b in range(2):
            pltpu.sync_copy(src_hbm.at[pl.ds(_chunk_off(b, 0), C)], sidx[b][0])
            pltpu.sync_copy(dst_hbm.at[pl.ds(_chunk_off(b, 0), C)], didx[b][0])
            pltpu.async_copy(m_hbm.at[sidx[b][0]], rows[b], gsem[b])
            pltpu.async_copy(src_hbm.at[pl.ds(_chunk_off(b, 1), C)],
                             sidx[b][1], isem[b])
            pltpu.async_copy(dst_hbm.at[pl.ds(_chunk_off(b, 1), C)],
                             didx[b][1], isem[b])

    with jax.named_scope("sc_zeroinit"):
        pltpu.sync_copy(zeros_hbm.at[pl.ds(r0, RPT)], acc_sh.at[pl.ds(r0, RPT)])
    with jax.named_scope("sc_barrier1"):
        plsc.subcore_barrier()

    def _gwait(b):
        pltpu.make_async_copy(m_hbm.at[pl.ds(0, C)], rows[b], gsem[b]).wait()

    def _iwait(b, g):
        pltpu.make_async_copy(src_hbm.at[pl.ds(0, C)], sidx[b][g],
                              isem[b]).wait()
        pltpu.make_async_copy(dst_hbm.at[pl.ds(0, C)], didx[b][g],
                              isem[b]).wait()

    def step(t, carry):
        for g in range(2):
            i = 2 * t + g
            for b in range(2):
                _gwait(b)
                pltpu.sync_copy(rows[b], acc_sh.at[didx[b][g]], add=True)

                @pl.when(i + 1 < HALF)
                def _(b=b, g=g):
                    _iwait(b, 1 - g)
                    pltpu.async_copy(m_hbm.at[sidx[b][1 - g]], rows[b],
                                     gsem[b])

                @pl.when(i + 2 < HALF)
                def _(b=b, g=g, i=i):
                    pltpu.async_copy(
                        src_hbm.at[pl.ds(_chunk_off(b, i + 2), C)],
                        sidx[b][g], isem[b])
                    pltpu.async_copy(
                        dst_hbm.at[pl.ds(_chunk_off(b, i + 2), C)],
                        didx[b][g], isem[b])
        return carry

    with jax.named_scope("sc_mainloop"):
        lax.fori_loop(0, HALF // 2, step, 0, unroll=False)
    with jax.named_scope("sc_barrier2"):
        plsc.subcore_barrier()

    @pl.when(c == 0)
    def _():
        pltpu.sync_copy(acc_sh.at[pl.ds(r0, RPT)], out0.at[pl.ds(r0, RPT)])

    @pl.when(c == 1)
    def _():
        pltpu.sync_copy(acc_sh.at[pl.ds(r0, RPT)], out1.at[pl.ds(r0, RPT)])


_sc_segsum = pl.kernel(
    _sc_body,
    out_type=(
        jax.ShapeDtypeStruct((NPAD, D), jnp.float32),
        jax.ShapeDtypeStruct((NPAD, D), jnp.float32),
    ),
    mesh=plsc.VectorSubcoreMesh(core_axis_name="c", subcore_axis_name="s"),
    scratch_types=[
        [[pltpu.VMEM((C,), jnp.int32)] * 2] * 2,
        [[pltpu.VMEM((C,), jnp.int32)] * 2] * 2,
        pltpu.VMEM((C, D), jnp.float32),
        pltpu.VMEM((C, D), jnp.float32),
        pltpu.SemaphoreType.DMA,
        pltpu.SemaphoreType.DMA,
        pltpu.SemaphoreType.DMA,
        pltpu.SemaphoreType.DMA,
        pltpu.VMEM_SHARED((NPAD, D), jnp.float32),
    ],
)



def _stage2_body(p0_ref, p1_ref, xx_ref, gh_ref, wih_ref, bih_ref, out_ref):
    agg = p0_ref[...] + p1_ref[...]
    gi = _dotT(agg, wih_ref[...]) + bih_ref[...]
    gh = gh_ref[...].astype(jnp.float32)
    r = jax.nn.sigmoid(gi[:, :D] + gh[:, :D])
    z = jax.nn.sigmoid(gi[:, D:2 * D] + gh[:, D:2 * D])
    n = jnp.tanh(gi[:, 2 * D:] + r * gh[:, 2 * D:])
    out_ref[...] = (1.0 - z) * n + z * xx_ref[...]


_stage2 = pl.pallas_call(
    _stage2_body,
    grid=(GRID,),
    in_specs=[
        pl.BlockSpec((R, D), lambda i: (i, 0)),
        pl.BlockSpec((R, D), lambda i: (i, 0)),
        pl.BlockSpec((R, D), lambda i: (i, 0)),
        pl.BlockSpec((R, DG), lambda i: (i, 0)),
        pl.BlockSpec((DG, D), lambda i: (0, 0)),
        pl.BlockSpec((1, DG), lambda i: (0, 0)),
    ],
    out_specs=pl.BlockSpec((R, D), lambda i: (i, 0)),
    out_shape=jax.ShapeDtypeStruct((N, D), jnp.float32),
)


def kernel(h, x, pos, edge_index_gate, edge_index_cand,
           fc_w, fc_b, ggc_w, w_ih, w_hh, b_ih, b_hh):
    src_p = edge_index_gate[0].astype(jnp.int32)
    dst_p = edge_index_gate[1].astype(jnp.int32)


    b = fc_b.reshape(1, D)
    bhh = b_hh.reshape(1, DG)
    bih = b_ih.reshape(1, DG)

    xx, m = _stage1(x, h, fc_w, b, ggc_w)

    zeros = jnp.zeros((NPAD, D), jnp.float32)
    p0, p1 = _sc_segsum(m, src_p, dst_p, zeros)
    gh = _gh(xx, w_hh, bhh)

    return _stage2(p0, p1, xx, gh, w_ih, bih)

# --- scband reference (transcript-rebuilt; emitter-appended) ---
"""Pipeline reference for scband-simple-conv-grucell-40346922778954 (READ-ONLY COPY).

The authoritative reference and input builder live on the scoring server;
editing this copy changes nothing except your own understanding.
"""

import jax, jax.numpy as jnp
import numpy as np

N = 10000
E = 320000
D_IN = 128
D_OUT = 128
D_POS = 64


def setup_inputs(seed: int = 0) -> dict:
    key = jax.random.key(seed)
    ks = jax.random.split(key, 12)
    h = jax.random.normal(ks[0], (N, D_OUT), dtype=jnp.float32)
    x = jax.random.normal(ks[1], (N, D_IN), dtype=jnp.float32)
    pos = jax.random.normal(ks[2], (N, D_POS), dtype=jnp.float32)
    edge_index_gate = jax.random.randint(ks[3], (2, E), 0, N, dtype=jnp.int64)
    edge_index_cand = jax.random.randint(ks[4], (2, E), 0, N, dtype=jnp.int64)
    # fc: Linear(in_channels + out_channels -> out_channels)
    fc_w = jax.random.normal(ks[5], (D_OUT, D_IN + D_OUT), dtype=jnp.float32) * (1.0 / np.sqrt(D_IN + D_OUT))
    fc_b = jax.random.normal(ks[6], (D_OUT,), dtype=jnp.float32) * 0.01
    # GatedGraphConv weight (num_layers=1): [out, out]
    ggc_w = jax.random.normal(ks[7], (D_OUT, D_OUT), dtype=jnp.float32) * (1.0 / np.sqrt(D_OUT))
    # GRUCell params
    w_ih = jax.random.normal(ks[8], (3 * D_OUT, D_OUT), dtype=jnp.float32) * (1.0 / np.sqrt(D_OUT))
    w_hh = jax.random.normal(ks[9], (3 * D_OUT, D_OUT), dtype=jnp.float32) * (1.0 / np.sqrt(D_OUT))
    b_ih = jax.random.normal(ks[10], (3 * D_OUT,), dtype=jnp.float32) * 0.01
    b_hh = jax.random.normal(ks[11], (3 * D_OUT,), dtype=jnp.float32) * 0.01
    return {"h": h, "x": x, "pos": pos, "edge_index_gate": edge_index_gate,
            "edge_index_cand": edge_index_cand, "fc_w": fc_w, "fc_b": fc_b,
            "ggc_w": ggc_w, "w_ih": w_ih, "w_hh": w_hh, "b_ih": b_ih, "b_hh": b_hh}


def reference(h, x, pos, edge_index_gate, edge_index_cand,
              fc_w, fc_b, ggc_w, w_ih, w_hh, b_ih, b_hh):
    # pos and edge_index_cand are intentionally unused (interface parity)
    xcat = jnp.concatenate([x, h], axis=-1)
    xx = jax.nn.relu(xcat @ fc_w.T + fc_b)
    # GatedGraphConv, num_layers=1, aggr='add'
    m = xx @ ggc_w
    src = edge_index_gate[0]
    dst = edge_index_gate[1]
    msg = jnp.take(m, src, axis=0)
    agg = jax.ops.segment_sum(msg, dst, num_segments=N)
    # GRUCell(input=agg, hidden=xx)
    gi = agg @ w_ih.T + b_ih
    gh = xx @ w_hh.T + b_hh
    i_r, i_z, i_n = jnp.split(gi, 3, axis=-1)
    h_r, h_z, h_n = jnp.split(gh, 3, axis=-1)
    r = jax.nn.sigmoid(i_r + h_r)
    z = jax.nn.sigmoid(i_z + h_z)
    n = jnp.tanh(i_n + r * h_n)
    h_next = (1.0 - z) * n + z * xx
    return h_next

if __name__ == "__main__":
    import jax
    _d = setup_inputs()
    print(jax.jit(kernel)(*tuple(_d.values())))

</pallas_src>

<mosaic_0001>
#map = affine_map<(d0, d1) -> (0, 0)>
#map1 = affine_map<(d0, d1) -> (0)>
module attributes {stable_mosaic.version = 14 : i64} {
  func.func @_sc_body(%arg0: i32, %arg1: i32, %arg2: memref<10000x128xf32, #tpu.memory_space<hbm>>, %arg3: memref<320000xi32, #tpu.memory_space<hbm>>, %arg4: memref<320000xi32, #tpu.memory_space<hbm>>, %arg5: memref<10240x128xf32, #tpu.memory_space<hbm>>, %arg6: memref<10240x128xf32, #tpu.memory_space<hbm>>, %arg7: memref<10240x128xf32, #tpu.memory_space<hbm>>, %arg8: memref<128xi32, #tpu.memory_space<vmem>>, %arg9: memref<128xi32, #tpu.memory_space<vmem>>, %arg10: memref<128xi32, #tpu.memory_space<vmem>>, %arg11: memref<128xi32, #tpu.memory_space<vmem>>, %arg12: memref<128xi32, #tpu.memory_space<vmem>>, %arg13: memref<128xi32, #tpu.memory_space<vmem>>, %arg14: memref<128xi32, #tpu.memory_space<vmem>>, %arg15: memref<128xi32, #tpu.memory_space<vmem>>, %arg16: memref<128x128xf32, #tpu.memory_space<vmem>>, %arg17: memref<128x128xf32, #tpu.memory_space<vmem>>, %arg18: memref<!tpu.dma_semaphore, #tpu.memory_space<semaphore_mem>>, %arg19: memref<!tpu.dma_semaphore, #tpu.memory_space<semaphore_mem>>, %arg20: memref<!tpu.dma_semaphore, #tpu.memory_space<semaphore_mem>>, %arg21: memref<!tpu.dma_semaphore, #tpu.memory_space<semaphore_mem>>, %arg22: memref<10240x128xf32, #tpu.memory_space<vmem_shared>>) attributes {dimension_semantics = [#tpu.dimension_semantics<core_parallel>, #tpu.dimension_semantics<subcore_parallel>], iteration_bounds = array<i64: 2, 16>, scalar_prefetch = 0 : i64, scratch_operands = 15 : i64, tpu.core_type = #tpu.core_type<sc_vector_subcore>, window_params = [{transform_indices = #map}, {transform_indices = #map1}, {transform_indices = #map1}, {transform_indices = #map}, {transform_indices = #map}, {transform_indices = #map}]} {
    %mul3A = arith.constant 2 : i32
    %mul3A_0 = arith.muli %arg1, %mul3A : i32
    %add3A = arith.addi %mul3A_0, %arg0 : i32
    %mul3A_1 = arith.constant 640 : i32
    %mul3A_2 = arith.muli %arg1, %mul3A_1 : i32
    %lt3A = arith.constant 17 : i32
    %lt3A_3 = arith.cmpi slt, %add3A, %lt3A : i32
    %mul3A_4 = arith.constant 80 : i32
    %mul3A_5 = arith.muli %add3A, %mul3A_4 : i32
    %sub3A = arith.constant 17 : i32
    %sub3A_6 = arith.subi %add3A, %sub3A : i32
    %mul3A_7 = arith.constant 76 : i32
    %mul3A_8 = arith.muli %sub3A_6, %mul3A_7 : i32
    %add3A_9 = arith.constant 1360 : i32
    %add3A_10 = arith.addi %add3A_9, %mul3A_8 : i32
    %select_n3A = arith.select %lt3A_3, %mul3A_5, %add3A_10 : i32
    %jit3A = arith.constant 40 : i32
    %jit3A_11 = arith.constant 38 : i32
    %select_n3A_12 = arith.select %lt3A_3, %jit3A, %jit3A_11 : i32
    "tpu.trace_start"() <{level = 10 : i32, message = "sc_preamble"}> : () -> ()
    %add3A_13 = arith.constant 0 : i32
    %add3A_14 = arith.addi %select_n3A, %add3A_13 : i32
    %add3A_15 = arith.constant 0 : i32
    %add3A_16 = arith.addi %add3A_14, %add3A_15 : i32
    %mul3A_17 = arith.constant 128 : i32
    %mul3A_18 = arith.muli %add3A_16, %mul3A_17 : i32
    "tpu.region"() ({
      %run_scoped3A = tpu.sem_alloc : memref<!tpu.dma_semaphore, #tpu.memory_space<semaphore_mem>>
      %dma_start3A_110 = tpu.memref_slice %arg3[%mul3A_18] : memref<320000xi32, #tpu.memory_space<hbm>> -> memref<128xi32, #tpu.memory_space<hbm>>
      %dma_start3A_111 = tpu.memref_slice %arg3[%mul3A_18] : memref<320000xi32, #tpu.memory_space<hbm>> -> memref<128xi32, #tpu.memory_space<hbm>>
      tpu.enqueue_dma source(%dma_start3A_111 : memref<128xi32, #tpu.memory_space<hbm>>) target(%arg8 : memref<128xi32, #tpu.memory_space<vmem>>) target_semaphore(%run_scoped3A : memref<!tpu.dma_semaphore, #tpu.memory_space<semaphore_mem>>)
      %dma_wait3A = tpu.memref_slice %arg3[%mul3A_18] : memref<320000xi32, #tpu.memory_space<hbm>> -> memref<128xi32, #tpu.memory_space<hbm>>
      %dma_wait3A_112 = tpu.memref_slice %arg3[%mul3A_18] : memref<320000xi32, #tpu.memory_space<hbm>> -> memref<128xi32, #tpu.memory_space<hbm>>
      tpu.wait_dma2 semaphore(%run_scoped3A : memref<!tpu.dma_semaphore, #tpu.memory_space<semaphore_mem>>) src(%dma_wait3A_112 : memref<128xi32, #tpu.memory_space<hbm>>) dst(%arg8 : memref<128xi32, #tpu.memory_space<vmem>>)
      tpu.yield
    }) : () -> ()
    %add3A_19 = arith.constant 0 : i32
    %add3A_20 = arith.addi %select_n3A, %add3A_19 : i32
    %add3A_21 = arith.constant 0 : i32
    %add3A_22 = arith.addi %add3A_20, %add3A_21 : i32
    %mul3A_23 = arith.constant 128 : i32
    %mul3A_24 = arith.muli %add3A_22, %mul3A_23 : i32
    "tpu.region"() ({
      %run_scoped3A = tpu.sem_alloc : memref<!tpu.dma_semaphore, #tpu.memory_space<semaphore_mem>>
      %dma_start3A_110 = tpu.memref_slice %arg4[%mul3A_24] : memref<320000xi32, #tpu.memory_space<hbm>> -> memref<128xi32, #tpu.memory_space<hbm>>
      %dma_start3A_111 = tpu.memref_slice %arg4[%mul3A_24] : memref<320000xi32, #tpu.memory_space<hbm>> -> memref<128xi32, #tpu.memory_space<hbm>>
      tpu.enqueue_dma source(%dma_start3A_111 : memref<128xi32, #tpu.memory_space<hbm>>) target(%arg12 : memref<128xi32, #tpu.memory_space<vmem>>) target_semaphore(%run_scoped3A : memref<!tpu.dma_semaphore, #tpu.memory_space<semaphore_mem>>)
      %dma_wait3A = tpu.memref_slice %arg4[%mul3A_24] : memref<320000xi32, #tpu.memory_space<hbm>> -> memref<128xi32, #tpu.memory_space<hbm>>
      %dma_wait3A_112 = tpu.memref_slice %arg4[%mul3A_24] : memref<320000xi32, #tpu.memory_space<hbm>> -> memref<128xi32, #tpu.memory_space<hbm>>
      tpu.wait_dma2 semaphore(%run_scoped3A : memref<!tpu.dma_semaphore, #tpu.memory_space<semaphore_mem>>) src(%dma_wait3A_112 : memref<128xi32, #tpu.memory_space<hbm>>) dst(%arg12 : memref<128xi32, #tpu.memory_space<vmem>>)
      tpu.yield
    }) : () -> ()
    %dma_start3A = arith.constant 0 : i32
    %dma_start3A_25 = arith.constant 0 : i32
    %dma_start3A_26 = tpu.memref_slice %arg2[%dma_start3A, %dma_start3A_25] : memref<10000x128xf32, #tpu.memory_space<hbm>> -> memref<10000x128xf32, #tpu.memory_space<hbm>>
    tpu.enqueue_indirect_dma source(%dma_start3A_26 : memref<10000x128xf32, #tpu.memory_space<hbm>>) target(%arg16 : memref<128x128xf32, #tpu.memory_space<vmem>>) offsets(%arg8 : memref<128xi32, #tpu.memory_space<vmem>>) semaphore(%arg18 : memref<!tpu.dma_semaphore, #tpu.memory_space<semaphore_mem>>)
    %add3A_27 = arith.constant 2 : i32
    %add3A_28 = arith.addi %select_n3A, %add3A_27 : i32
    %add3A_29 = arith.constant 0 : i32
    %add3A_30 = arith.addi %add3A_28, %add3A_29 : i32
    %mul3A_31 = arith.constant 128 : i32
    %mul3A_32 = arith.muli %add3A_30, %mul3A_31 : i32
    %dma_start3A_33 = tpu.memref_slice %arg3[%mul3A_32] : memref<320000xi32, #tpu.memory_space<hbm>> -> memref<128xi32, #tpu.memory_space<hbm>>
    %dma_start3A_34 = tpu.memref_slice %arg3[%mul3A_32] : memref<320000xi32, #tpu.memory_space<hbm>> -> memref<128xi32, #tpu.memory_space<hbm>>
    tpu.enqueue_dma source(%dma_start3A_34 : memref<128xi32, #tpu.memory_space<hbm>>) target(%arg9 : memref<128xi32, #tpu.memory_space<vmem>>) target_semaphore(%arg20 : memref<!tpu.dma_semaphore, #tpu.memory_space<semaphore_mem>>)
    %add3A_35 = arith.constant 2 : i32
    %add3A_36 = arith.addi %select_n3A, %add3A_35 : i32
    %add3A_37 = arith.constant 0 : i32
    %add3A_38 = arith.addi %add3A_36, %add3A_37 : i32
    %mul3A_39 = arith.constant 128 : i32
    %mul3A_40 = arith.muli %add3A_38, %mul3A_39 : i32
    %dma_start3A_41 = tpu.memref_slice %arg4[%mul3A_40] : memref<320000xi32, #tpu.memory_space<hbm>> -> memref<128xi32, #tpu.memory_space<hbm>>
    %dma_start3A_42 = tpu.memref_slice %arg4[%mul3A_40] : memref<320000xi32, #tpu.memory_space<hbm>> -> memref<128xi32, #tpu.memory_space<hbm>>
    tpu.enqueue_dma source(%dma_start3A_42 : memref<128xi32, #tpu.memory_space<hbm>>) target(%arg13 : memref<128xi32, #tpu.memory_space<vmem>>) target_semaphore(%arg20 : memref<!tpu.dma_semaphore, #tpu.memory_space<semaphore_mem>>)
    %add3A_43 = arith.constant 0 : i32
    %add3A_44 = arith.addi %select_n3A, %add3A_43 : i32
    %add3A_45 = arith.constant 1 : i32
    %add3A_46 = arith.addi %add3A_44, %add3A_45 : i32
    %mul3A_47 = arith.constant 128 : i32
    %mul3A_48 = arith.muli %add3A_46, %mul3A_47 : i32
    "tpu.region"() ({
      %run_scoped3A = tpu.sem_alloc : memref<!tpu.dma_semaphore, #tpu.memory_space<semaphore_mem>>
      %dma_start3A_110 = tpu.memref_slice %arg3[%mul3A_48] : memref<320000xi32, #tpu.memory_space<hbm>> -> memref<128xi32, #tpu.memory_space<hbm>>
      %dma_start3A_111 = tpu.memref_slice %arg3[%mul3A_48] : memref<320000xi32, #tpu.memory_space<hbm>> -> memref<128xi32, #tpu.memory_space<hbm>>
      tpu.enqueue_dma source(%dma_start3A_111 : memref<128xi32, #tpu.memory_space<hbm>>) target(%arg10 : memref<128xi32, #tpu.memory_space<vmem>>) target_semaphore(%run_scoped3A : memref<!tpu.dma_semaphore, #tpu.memory_space<semaphore_mem>>)
      %dma_wait3A = tpu.memref_slice %arg3[%mul3A_48] : memref<320000xi32, #tpu.memory_space<hbm>> -> memref<128xi32, #tpu.memory_space<hbm>>
      %dma_wait3A_112 = tpu.memref_slice %arg3[%mul3A_48] : memref<320000xi32, #tpu.memory_space<hbm>> -> memref<128xi32, #tpu.memory_space<hbm>>
      tpu.wait_dma2 semaphore(%run_scoped3A : memref<!tpu.dma_semaphore, #tpu.memory_space<semaphore_mem>>) src(%dma_wait3A_112 : memref<128xi32, #tpu.memory_space<hbm>>) dst(%arg10 : memref<128xi32, #tpu.memory_space<vmem>>)
      tpu.yield
    }) : () -> ()
    %add3A_49 = arith.constant 0 : i32
    %add3A_50 = arith.addi %select_n3A, %add3A_49 : i32
    %add3A_51 = arith.constant 1 : i32
    %add3A_52 = arith.addi %add3A_50, %add3A_51 : i32
    %mul3A_53 = arith.constant 128 : i32
    %mul3A_54 = arith.muli %add3A_52, %mul3A_53 : i32
    "tpu.region"() ({
      %run_scoped3A = tpu.sem_alloc : memref<!tpu.dma_semaphore, #tpu.memory_space<semaphore_mem>>
      %dma_start3A_110 = tpu.memref_slice %arg4[%mul3A_54] : memref<320000xi32, #tpu.memory_space<hbm>> -> memref<128xi32, #tpu.memory_space<hbm>>
      %dma_start3A_111 = tpu.memref_slice %arg4[%mul3A_54] : memref<320000xi32, #tpu.memory_space<hbm>> -> memref<128xi32, #tpu.memory_space<hbm>>
      tpu.enqueue_dma source(%dma_start3A_111 : memref<128xi32, #tpu.memory_space<hbm>>) target(%arg14 : memref<128xi32, #tpu.memory_space<vmem>>) target_semaphore(%run_scoped3A : memref<!tpu.dma_semaphore, #tpu.memory_space<semaphore_mem>>)
      %dma_wait3A = tpu.memref_slice %arg4[%mul3A_54] : memref<320000xi32, #tpu.memory_space<hbm>> -> memref<128xi32, #tpu.memory_space<hbm>>
      %dma_wait3A_112 = tpu.memref_slice %arg4[%mul3A_54] : memref<320000xi32, #tpu.memory_space<hbm>> -> memref<128xi32, #tpu.memory_space<hbm>>
      tpu.wait_dma2 semaphore(%run_scoped3A : memref<!tpu.dma_semaphore, #tpu.memory_space<semaphore_mem>>) src(%dma_wait3A_112 : memref<128xi32, #tpu.memory_space<hbm>>) dst(%arg14 : memref<128xi32, #tpu.memory_space<vmem>>)
      tpu.yield
    }) : () -> ()
    %dma_start3A_55 = arith.constant 0 : i32
    %dma_start3A_56 = arith.constant 0 : i32
    %dma_start3A_57 = tpu.memref_slice %arg2[%dma_start3A_55, %dma_start3A_56] : memref<10000x128xf32, #tpu.memory_space<hbm>> -> memref<10000x128xf32, #tpu.memory_space<hbm>>
    tpu.enqueue_indirect_dma source(%dma_start3A_57 : memref<10000x128xf32, #tpu.memory_space<hbm>>) target(%arg17 : memref<128x128xf32, #tpu.memory_space<vmem>>) offsets(%arg10 : memref<128xi32, #tpu.memory_space<vmem>>) semaphore(%arg19 : memref<!tpu.dma_semaphore, #tpu.memory_space<semaphore_mem>>)
    %add3A_58 = arith.constant 2 : i32
    %add3A_59 = arith.addi %select_n3A, %add3A_58 : i32
    %add3A_60 = arith.constant 1 : i32
    %add3A_61 = arith.addi %add3A_59, %add3A_60 : i32
    %mul3A_62 = arith.constant 128 : i32
    %mul3A_63 = arith.muli %add3A_61, %mul3A_62 : i32
    %dma_start3A_64 = tpu.memref_slice %arg3[%mul3A_63] : memref<320000xi32, #tpu.memory_space<hbm>> -> memref<128xi32, #tpu.memory_space<hbm>>
    %dma_start3A_65 = tpu.memref_slice %arg3[%mul3A_63] : memref<320000xi32, #tpu.memory_space<hbm>> -> memref<128xi32, #tpu.memory_space<hbm>>
    tpu.enqueue_dma source(%dma_start3A_65 : memref<128xi32, #tpu.memory_space<hbm>>) target(%arg11 : memref<128xi32, #tpu.memory_space<vmem>>) target_semaphore(%arg21 : memref<!tpu.dma_semaphore, #tpu.memory_space<semaphore_mem>>)
    %add3A_66 = arith.constant 2 : i32
    %add3A_67 = arith.addi %select_n3A, %add3A_66 : i32
    %add3A_68 = arith.constant 1 : i32
    %add3A_69 = arith.addi %add3A_67, %add3A_68 : i32
    %mul3A_70 = arith.constant 128 : i32
    %mul3A_71 = arith.muli %add3A_69, %mul3A_70 : i32
    %dma_start3A_72 = tpu.memref_slice %arg4[%mul3A_71] : memref<320000xi32, #tpu.memory_space<hbm>> -> memref<128xi32, #tpu.memory_space<hbm>>
    %dma_start3A_73 = tpu.memref_slice %arg4[%mul3A_71] : memref<320000xi32, #tpu.memory_space<hbm>> -> memref<128xi32, #tpu.memory_space<hbm>>
    tpu.enqueue_dma source(%dma_start3A_73 : memref<128xi32, #tpu.memory_space<hbm>>) target(%arg15 : memref<128xi32, #tpu.memory_space<vmem>>) target_semaphore(%arg21 : memref<!tpu.dma_semaphore, #tpu.memory_space<semaphore_mem>>)
    "tpu.trace_stop"() : () -> ()
    "tpu.trace_start"() <{level = 10 : i32, message = "sc_zeroinit"}> : () -> ()
    "tpu.region"() ({
      %run_scoped3A = tpu.sem_alloc : memref<!tpu.dma_semaphore, #tpu.memory_space<semaphore_mem>>
      %dma_start3A_110 = arith.constant 0 : i32
      %dma_start3A_111 = tpu.memref_slice %arg22[%mul3A_2, %dma_start3A_110] : memref<10240x128xf32, #tpu.memory_space<vmem_shared>> -> memref<640x128xf32, #tpu.memory_space<vmem_shared>>
      %dma_start3A_112 = arith.constant 0 : i32
      %dma_start3A_113 = tpu.memref_slice %arg5[%mul3A_2, %dma_start3A_112] : memref<10240x128xf32, #tpu.memory_space<hbm>> -> memref<640x128xf32, #tpu.memory_space<hbm>>
      tpu.enqueue_dma source(%dma_start3A_113 : memref<640x128xf32, #tpu.memory_space<hbm>>) target(%dma_start3A_111 : memref<640x128xf32, #tpu.memory_space<vmem_shared>>) target_semaphore(%run_scoped3A : memref<!tpu.dma_semaphore, #tpu.memory_space<semaphore_mem>>)
      %dma_wait3A = arith.constant 0 : i32
      %dma_wait3A_114 = tpu.memref_slice %arg22[%mul3A_2, %dma_wait3A] : memref<10240x128xf32, #tpu.memory_space<vmem_shared>> -> memref<640x128xf32, #tpu.memory_space<vmem_shared>>
      %dma_wait3A_115 = arith.constant 0 : i32
      %dma_wait3A_116 = tpu.memref_slice %arg5[%mul3A_2, %dma_wait3A_115] : memref<10240x128xf32, #tpu.memory_space<hbm>> -> memref<640x128xf32, #tpu.memory_space<hbm>>
      tpu.wait_dma2 semaphore(%run_scoped3A : memref<!tpu.dma_semaphore, #tpu.memory_space<semaphore_mem>>) src(%dma_wait3A_116 : memref<640x128xf32, #tpu.memory_space<hbm>>) dst(%dma_wait3A_114 : memref<640x128xf32, #tpu.memory_space<vmem_shared>>)
      tpu.yield
    }) : () -> ()
    "tpu.trace_stop"() : () -> ()
    "tpu.trace_start"() <{level = 10 : i32, message = "sc_barrier1"}> : () -> ()
    %barrier3A = arith.constant 0 : index
    tpu.barrier barrier_id(%barrier3A)
    %jit3A_74 = arith.constant 2 : i32
    "tpu.trace_stop"() : () -> ()
    "tpu.trace_start"() <{level = 10 : i32, message = "sc_mainloop"}> : () -> ()
    %div3A = arith.divsi %select_n3A_12, %jit3A_74 : i32
    %sign3A = arith.constant 0 : i32
    %sign3A_75 = arith.cmpi sgt, %select_n3A_12, %sign3A : i32
    %sign3A_76 = arith.extui %sign3A_75 : i1 to i32
    %sign3A_77 = arith.constant 0 : i32
    %sign3A_78 = arith.cmpi slt, %select_n3A_12, %sign3A_77 : i32
    %sign3A_79 = arith.extui %sign3A_78 : i1 to i32
    %sign3A_80 = arith.subi %sign3A_76, %sign3A_79 : i32
    %sign3A_81 = arith.constant 0 : i32
    %sign3A_82 = arith.cmpi sgt, %jit3A_74, %sign3A_81 : i32
    %sign3A_83 = arith.extui %sign3A_82 : i1 to i32
    %sign3A_84 = arith.constant 0 : i32
    %sign3A_85 = arith.cmpi slt, %jit3A_74, %sign3A_84 : i32
    %sign3A_86 = arith.extui %sign3A_85 : i1 to i32
    %sign3A_87 = arith.subi %sign3A_83, %sign3A_86 : i32
    %ne3A = arith.cmpi ne, %sign3A_80, %sign3A_87 : i32
    %rem3A = arith.remsi %select_n3A_12, %jit3A_74 : i32
    %ne3A_88 = arith.constant 0 : i32
    %ne3A_89 = arith.cmpi ne, %rem3A, %ne3A_88 : i32
    %and3A = arith.andi %ne3A, %ne3A_89 : i1
    %sub3A_90 = arith.constant 1 : i32
    %sub3A_91 = arith.subi %div3A, %sub3A_90 : i32
    %select_n3A_92 = arith.select %and3A, %sub3A_91, %div3A : i32
    %while3A = arith.constant 0 : i32
    %while3A_93 = arith.constant 0 : i32
    %while3A_94 = arith.subi %select_n3A_92, %while3A_93 : i32
    %while3A_95 = arith.addi %while3A_93, %while3A_94 : i32
    %while3A_96 = arith.constant 1 : i32
    %while3A_97 = arith.divsi %while3A_94, %while3A_96 : i32
    %while3A_98 = arith.muli %while3A_97, %while3A_96 : i32
    %while3A_99 = arith.addi %while3A_93, %while3A_98 : i32
    %while3A_100 = arith.constant 1 : i32
    scf.for %while3A_110 = %while3A_93 to %while3A_99 step %while3A_100  : i32 {
      %mul3A_111 = arith.constant 2 : i32
      %mul3A_112 = arith.muli %mul3A_111, %while3A_110 : i32
      %add3A_113 = arith.constant 0 : i32
      %add3A_114 = arith.addi %mul3A_112, %add3A_113 : i32
      %dma_wait3A = arith.constant 0 : i32
      %dma_wait3A_115 = arith.constant 0 : i32
      %dma_wait3A_116 = tpu.memref_slice %arg2[%dma_wait3A, %dma_wait3A_115] : memref<10000x128xf32, #tpu.memory_space<hbm>> -> memref<128x128xf32, #tpu.memory_space<hbm>>
      %dma_wait3A_117 = arith.constant 0 : i32
      %dma_wait3A_118 = arith.constant 0 : i32
      %dma_wait3A_119 = tpu.memref_slice %arg2[%dma_wait3A_117, %dma_wait3A_118] : memref<10000x128xf32, #tpu.memory_space<hbm>> -> memref<128x128xf32, #tpu.memory_space<hbm>>
      tpu.wait_dma2 semaphore(%arg18 : memref<!tpu.dma_semaphore, #tpu.memory_space<semaphore_mem>>) src(%dma_wait3A_119 : memref<128x128xf32, #tpu.memory_space<hbm>>) dst(%arg16 : memref<128x128xf32, #tpu.memory_space<vmem>>)
      "tpu.region"() ({
        %run_scoped3A = tpu.sem_alloc : memref<!tpu.dma_semaphore, #tpu.memory_space<semaphore_mem>>
        %dma_start3A_190 = arith.constant 0 : i32
        %dma_start3A_191 = arith.constant 0 : i32
        %dma_start3A_192 = tpu.memref_slice %arg22[%dma_start3A_190, %dma_start3A_191] : memref<10240x128xf32, #tpu.memory_space<vmem_shared>> -> memref<10240x128xf32, #tpu.memory_space<vmem_shared>>
        tpu.enqueue_indirect_dma source(%arg16 : memref<128x128xf32, #tpu.memory_space<vmem>>) target(%dma_start3A_192 : memref<10240x128xf32, #tpu.memory_space<vmem_shared>>) offsets(%arg12 : memref<128xi32, #tpu.memory_space<vmem>>) semaphore(%run_scoped3A : memref<!tpu.dma_semaphore, #tpu.memory_space<semaphore_mem>>) {add = true}
        %dma_wait3A_193 = arith.constant 0 : i32
        %dma_wait3A_194 = arith.constant 0 : i32
        %dma_wait3A_195 = tpu.memref_slice %arg22[%dma_wait3A_193, %dma_wait3A_194] : memref<10240x128xf32, #tpu.memory_space<vmem_shared>> -> memref<10240x128xf32, #tpu.memory_space<vmem_shared>>
        tpu.wait_indirect_dma semaphore(%run_scoped3A : memref<!tpu.dma_semaphore, #tpu.memory_space<semaphore_mem>>) src(%arg16 : memref<128x128xf32, #tpu.memory_space<vmem>>) dst(%dma_wait3A_195 : memref<10240x128xf32, #tpu.memory_space<vmem_shared>>)
        tpu.yield
      }) : () -> ()
      %add3A_120 = arith.constant 1 : i32
      %add3A_121 = arith.addi %add3A_114, %add3A_120 : i32
      %lt3A_122 = arith.cmpi slt, %add3A_121, %select_n3A_12 : i32
      %convert_element_type3A_123 = arith.extui %lt3A_122 : i1 to i32
      %cond3A_124 = arith.constant 0 : i32
      %cond3A_125 = arith.cmpi ne, %convert_element_type3A_123, %cond3A_124 : i32
      scf.if %cond3A_125 {
        %dma_wait3A_190 = arith.constant 0 : i32
        %dma_wait3A_191 = tpu.memref_slice %arg3[%dma_wait3A_190] : memref<320000xi32, #tpu.memory_space<hbm>> -> memref<128xi32, #tpu.memory_space<hbm>>
        %dma_wait3A_192 = arith.constant 0 : i32
        %dma_wait3A_193 = tpu.memref_slice %arg3[%dma_wait3A_192] : memref<320000xi32, #tpu.memory_space<hbm>> -> memref<128xi32, #tpu.memory_space<hbm>>
        tpu.wait_dma2 semaphore(%arg20 : memref<!tpu.dma_semaphore, #tpu.memory_space<semaphore_mem>>) src(%dma_wait3A_193 : memref<128xi32, #tpu.memory_space<hbm>>) dst(%arg9 : memref<128xi32, #tpu.memory_space<vmem>>)
        %dma_wait3A_194 = arith.constant 0 : i32
        %dma_wait3A_195 = tpu.memref_slice %arg4[%dma_wait3A_194] : memref<320000xi32, #tpu.memory_space<hbm>> -> memref<128xi32, #tpu.memory_space<hbm>>
        %dma_wait3A_196 = arith.constant 0 : i32
        %dma_wait3A_197 = tpu.memref_slice %arg4[%dma_wait3A_196] : memref<320000xi32, #tpu.memory_space<hbm>> -> memref<128xi32, #tpu.memory_space<hbm>>
        tpu.wait_dma2 semaphore(%arg20 : memref<!tpu.dma_semaphore, #tpu.memory_space<semaphore_mem>>) src(%dma_wait3A_197 : memref<128xi32, #tpu.memory_space<hbm>>) dst(%arg13 : memref<128xi32, #tpu.memory_space<vmem>>)
        %dma_start3A_198 = arith.constant 0 : i32
        %dma_start3A_199 = arith.constant 0 : i32
        %dma_start3A_200 = tpu.memref_slice %arg2[%dma_start3A_198, %dma_start3A_199] : memref<10000x128xf32, #tpu.memory_space<hbm>> -> memref<10000x128xf32, #tpu.memory_space<hbm>>
        tpu.enqueue_indirect_dma source(%dma_start3A_200 : memref<10000x128xf32, #tpu.memory_space<hbm>>) target(%arg16 : memref<128x128xf32, #tpu.memory_space<vmem>>) offsets(%arg9 : memref<128xi32, #tpu.memory_space<vmem>>) semaphore(%arg18 : memref<!tpu.dma_semaphore, #tpu.memory_space<semaphore_mem>>)
      } else {
      }
      %add3A_126 = arith.constant 2 : i32
      %add3A_127 = arith.addi %add3A_114, %add3A_126 : i32
      %lt3A_128 = arith.cmpi slt, %add3A_127, %select_n3A_12 : i32
      %convert_element_type3A_129 = arith.extui %lt3A_128 : i1 to i32
      %cond3A_130 = arith.constant 0 : i32
      %cond3A_131 = arith.cmpi ne, %convert_element_type3A_129, %cond3A_130 : i32
      scf.if %cond3A_131 {
        %add3A_190 = arith.constant 2 : i32
        %add3A_191 = arith.addi %add3A_114, %add3A_190 : i32
        %mul3A_192 = arith.constant 2 : i32
        %mul3A_193 = arith.muli %mul3A_192, %add3A_191 : i32
        %add3A_194 = arith.addi %select_n3A, %mul3A_193 : i32
        %add3A_195 = arith.constant 0 : i32
        %add3A_196 = arith.addi %add3A_194, %add3A_195 : i32
        %mul3A_197 = arith.constant 128 : i32
        %mul3A_198 = arith.muli %add3A_196, %mul3A_197 : i32
        %dma_start3A_199 = tpu.memref_slice %arg3[%mul3A_198] : memref<320000xi32, #tpu.memory_space<hbm>> -> memref<128xi32, #tpu.memory_space<hbm>>
        %dma_start3A_200 = tpu.memref_slice %arg3[%mul3A_198] : memref<320000xi32, #tpu.memory_space<hbm>> -> memref<128xi32, #tpu.memory_space<hbm>>
        tpu.enqueue_dma source(%dma_start3A_200 : memref<128xi32, #tpu.memory_space<hbm>>) target(%arg8 : memref<128xi32, #tpu.memory_space<vmem>>) target_semaphore(%arg20 : memref<!tpu.dma_semaphore, #tpu.memory_space<semaphore_mem>>)
        %add3A_201 = arith.constant 2 : i32
        %add3A_202 = arith.addi %add3A_114, %add3A_201 : i32
        %mul3A_203 = arith.constant 2 : i32
        %mul3A_204 = arith.muli %mul3A_203, %add3A_202 : i32
        %add3A_205 = arith.addi %select_n3A, %mul3A_204 : i32
        %add3A_206 = arith.constant 0 : i32
        %add3A_207 = arith.addi %add3A_205, %add3A_206 : i32
        %mul3A_208 = arith.constant 128 : i32
        %mul3A_209 = arith.muli %add3A_207, %mul3A_208 : i32
        %dma_start3A_210 = tpu.memref_slice %arg4[%mul3A_209] : memref<320000xi32, #tpu.memory_space<hbm>> -> memref<128xi32, #tpu.memory_space<hbm>>
        %dma_start3A_211 = tpu.memref_slice %arg4[%mul3A_209] : memref<320000xi32, #tpu.memory_space<hbm>> -> memref<128xi32, #tpu.memory_space<hbm>>
        tpu.enqueue_dma source(%dma_start3A_211 : memref<128xi32, #tpu.memory_space<hbm>>) target(%arg12 : memref<128xi32, #tpu.memory_space<vmem>>) target_semaphore(%arg20 : memref<!tpu.dma_semaphore, #tpu.memory_space<semaphore_mem>>)
      } else {
      }
      %dma_wait3A_132 = arith.constant 0 : i32
      %dma_wait3A_133 = arith.constant 0 : i32
      %dma_wait3A_134 = tpu.memref_slice %arg2[%dma_wait3A_132, %dma_wait3A_133] : memref<10000x128xf32, #tpu.memory_space<hbm>> -> memref<128x128xf32, #tpu.memory_space<hbm>>
      %dma_wait3A_135 = arith.constant 0 : i32
      %dma_wait3A_136 = arith.constant 0 : i32
      %dma_wait3A_137 = tpu.memref_slice %arg2[%dma_wait3A_135, %dma_wait3A_136] : memref<10000x128xf32, #tpu.memory_space<hbm>> -> memref<128x128xf32, #tpu.memory_space<hbm>>
      tpu.wait_dma2 semaphore(%arg19 : memref<!tpu.dma_semaphore, #tpu.memory_space<semaphore_mem>>) src(%dma_wait3A_137 : memref<128x128xf32, #tpu.memory_space<hbm>>) dst(%arg17 : memref<128x128xf32, #tpu.memory_space<vmem>>)
      "tpu.region"() ({
        %run_scoped3A = tpu.sem_alloc : memref<!tpu.dma_semaphore, #tpu.memory_space<semaphore_mem>>
        %dma_start3A_190 = arith.constant 0 : i32
        %dma_start3A_191 = arith.constant 0 : i32
        %dma_start3A_192 = tpu.memref_slice %arg22[%dma_start3A_190, %dma_start3A_191] : memref<10240x128xf32, #tpu.memory_space<vmem_shared>> -> memref<10240x128xf32, #tpu.memory_space<vmem_shared>>
        tpu.enqueue_indirect_dma source(%arg17 : memref<128x128xf32, #tpu.memory_space<vmem>>) target(%dma_start3A_192 : memref<10240x128xf32, #tpu.memory_space<vmem_shared>>) offsets(%arg14 : memref<128xi32, #tpu.memory_space<vmem>>) semaphore(%run_scoped3A : memref<!tpu.dma_semaphore, #tpu.memory_space<semaphore_mem>>) {add = true}
        %dma_wait3A_193 = arith.constant 0 : i32
        %dma_wait3A_194 = arith.constant 0 : i32
        %dma_wait3A_195 = tpu.memref_slice %arg22[%dma_wait3A_193, %dma_wait3A_194] : memref<10240x128xf32, #tpu.memory_space<vmem_shared>> -> memref<10240x128xf32, #tpu.memory_space<vmem_shared>>
        tpu.wait_indirect_dma semaphore(%run_scoped3A : memref<!tpu.dma_semaphore, #tpu.memory_space<semaphore_mem>>) src(%arg17 : memref<128x128xf32, #tpu.memory_space<vmem>>) dst(%dma_wait3A_195 : memref<10240x128xf32, #tpu.memory_space<vmem_shared>>)
        tpu.yield
      }) : () -> ()
      %add3A_138 = arith.constant 1 : i32
      %add3A_139 = arith.addi %add3A_114, %add3A_138 : i32
      %lt3A_140 = arith.cmpi slt, %add3A_139, %select_n3A_12 : i32
      %convert_element_type3A_141 = arith.extui %lt3A_140 : i1 to i32
      %cond3A_142 = arith.constant 0 : i32
      %cond3A_143 = arith.cmpi ne, %convert_element_type3A_141, %cond3A_142 : i32
      scf.if %cond3A_143 {
        %dma_wait3A_190 = arith.constant 0 : i32
        %dma_wait3A_191 = tpu.memref_slice %arg3[%dma_wait3A_190] : memref<320000xi32, #tpu.memory_space<hbm>> -> memref<128xi32, #tpu.memory_space<hbm>>
        %dma_wait3A_192 = arith.constant 0 : i32
        %dma_wait3A_193 = tpu.memref_slice %arg3[%dma_wait3A_192] : memref<320000xi32, #tpu.memory_space<hbm>> -> memref<128xi32, #tpu.memory_space<hbm>>
        tpu.wait_dma2 semaphore(%arg21 : memref<!tpu.dma_semaphore, #tpu.memory_space<semaphore_mem>>) src(%dma_wait3A_193 : memref<128xi32, #tpu.memory_space<hbm>>) dst(%arg11 : memref<128xi32, #tpu.memory_space<vmem>>)
        %dma_wait3A_194 = arith.constant 0 : i32
        %dma_wait3A_195 = tpu.memref_slice %arg4[%dma_wait3A_194] : memref<320000xi32, #tpu.memory_space<hbm>> -> memref<128xi32, #tpu.memory_space<hbm>>
        %dma_wait3A_196 = arith.constant 0 : i32
        %dma_wait3A_197 = tpu.memref_slice %arg4[%dma_wait3A_196] : memref<320000xi32, #tpu.memory_space<hbm>> -> memref<128xi32, #tpu.memory_space<hbm>>
        tpu.wait_dma2 semaphore(%arg21 : memref<!tpu.dma_semaphore, #tpu.memory_space<semaphore_mem>>) src(%dma_wait3A_197 : memref<128xi32, #tpu.memory_space<hbm>>) dst(%arg15 : memref<128xi32, #tpu.memory_space<vmem>>)
        %dma_start3A_198 = arith.constant 0 : i32
        %dma_start3A_199 = arith.constant 0 : i32
        %dma_start3A_200 = tpu.memref_slice %arg2[%dma_start3A_198, %dma_start3A_199] : memref<10000x128xf32, #tpu.memory_space<hbm>> -> memref<10000x128xf32, #tpu.memory_space<hbm>>
        tpu.enqueue_indirect_dma source(%dma_start3A_200 : memref<10000x128xf32, #tpu.memory_space<hbm>>) target(%arg17 : memref<128x128xf32, #tpu.memory_space<vmem>>) offsets(%arg11 : memref<128xi32, #tpu.memory_space<vmem>>) semaphore(%arg19 : memref<!tpu.dma_semaphore, #tpu.memory_space<semaphore_mem>>)
      } else {
      }
      %add3A_144 = arith.constant 2 : i32
      %add3A_145 = arith.addi %add3A_114, %add3A_144 : i32
      %lt3A_146 = arith.cmpi slt, %add3A_145, %select_n3A_12 : i32
      %convert_element_type3A_147 = arith.extui %lt3A_146 : i1 to i32
      %cond3A_148 = arith.constant 0 : i32
      %cond3A_149 = arith.cmpi ne, %convert_element_type3A_147, %cond3A_148 : i32
      scf.if %cond3A_149 {
        %add3A_190 = arith.constant 2 : i32
        %add3A_191 = arith.addi %add3A_114, %add3A_190 : i32
        %mul3A_192 = arith.constant 2 : i32
        %mul3A_193 = arith.muli %mul3A_192, %add3A_191 : i32
        %add3A_194 = arith.addi %select_n3A, %mul3A_193 : i32
        %add3A_195 = arith.constant 1 : i32
        %add3A_196 = arith.addi %add3A_194, %add3A_195 : i32
        %mul3A_197 = arith.constant 128 : i32
        %mul3A_198 = arith.muli %add3A_196, %mul3A_197 : i32
        %dma_start3A_199 = tpu.memref_slice %arg3[%mul3A_198] : memref<320000xi32, #tpu.memory_space<hbm>> -> memref<128xi32, #tpu.memory_space<hbm>>
        %dma_start3A_200 = tpu.memref_slice %arg3[%mul3A_198] : memref<320000xi32, #tpu.memory_space<hbm>> -> memref<128xi32, #tpu.memory_space<hbm>>
        tpu.enqueue_dma source(%dma_start3A_200 : memref<128xi32, #tpu.memory_space<hbm>>) target(%arg10 : memref<128xi32, #tpu.memory_space<vmem>>) target_semaphore(%arg21 : memref<!tpu.dma_semaphore, #tpu.memory_space<semaphore_mem>>)
        %add3A_201 = arith.constant 2 : i32
        %add3A_202 = arith.addi %add3A_114, %add3A_201 : i32
        %mul3A_203 = arith.constant 2 : i32
        %mul3A_204 = arith.muli %mul3A_203, %add3A_202 : i32
        %add3A_205 = arith.addi %select_n3A, %mul3A_204 : i32
        %add3A_206 = arith.constant 1 : i32
        %add3A_207 = arith.addi %add3A_205, %add3A_206 : i32
        %mul3A_208 = arith.constant 128 : i32
        %mul3A_209 = arith.muli %add3A_207, %mul3A_208 : i32
        %dma_start3A_210 = tpu.memref_slice %arg4[%mul3A_209] : memref<320000xi32, #tpu.memory_space<hbm>> -> memref<128xi32, #tpu.memory_space<hbm>>
        %dma_start3A_211 = tpu.memref_slice %arg4[%mul3A_209] : memref<320000xi32, #tpu.memory_space<hbm>> -> memref<128xi32, #tpu.memory_space<hbm>>
        tpu.enqueue_dma source(%dma_start3A_211 : memref<128xi32, #tpu.memory_space<hbm>>) target(%arg14 : memref<128xi32, #tpu.memory_space<vmem>>) target_semaphore(%arg21 : memref<!tpu.dma_semaphore, #tpu.memory_space<semaphore_mem>>)
      } else {
      }
      %mul3A_150 = arith.constant 2 : i32
      %mul3A_151 = arith.muli %mul3A_150, %while3A_110 : i32
      %add3A_152 = arith.constant 1 : i32
      %add3A_153 = arith.addi %mul3A_151, %add3A_152 : i32
      %dma_wait3A_154 = arith.constant 0 : i32
      %dma_wait3A_155 = arith.constant 0 : i32
      %dma_wait3A_156 = tpu.memref_slice %arg2[%dma_wait3A_154, %dma_wait3A_155] : memref<10000x128xf32, #tpu.memory_space<hbm>> -> memref<128x128xf32, #tpu.memory_space<hbm>>
      %dma_wait3A_157 = arith.constant 0 : i32
      %dma_wait3A_158 = arith.constant 0 : i32
      %dma_wait3A_159 = tpu.memref_slice %arg2[%dma_wait3A_157, %dma_wait3A_158] : memref<10000x128xf32, #tpu.memory_space<hbm>> -> memref<128x128xf32, #tpu.memory_space<hbm>>
      tpu.wait_dma2 semaphore(%arg18 : memref<!tpu.dma_semaphore, #tpu.memory_space<semaphore_mem>>) src(%dma_wait3A_159 : memref<128x128xf32, #tpu.memory_space<hbm>>) dst(%arg16 : memref<128x128xf32, #tpu.memory_space<vmem>>)
      "tpu.region"() ({
        %run_scoped3A = tpu.sem_alloc : memref<!tpu.dma_semaphore, #tpu.memory_space<semaphore_mem>>
        %dma_start3A_190 = arith.constant 0 : i32
        %dma_start3A_191 = arith.constant 0 : i32
        %dma_start3A_192 = tpu.memref_slice %arg22[%dma_start3A_190, %dma_start3A_191] : memref<10240x128xf32, #tpu.memory_space<vmem_shared>> -> memref<10240x128xf32, #tpu.memory_space<vmem_shared>>
        tpu.enqueue_indirect_dma source(%arg16 : memref<128x128xf32, #tpu.memory_space<vmem>>) target(%dma_start3A_192 : memref<10240x128xf32, #tpu.memory_space<vmem_shared>>) offsets(%arg13 : memref<128xi32, #tpu.memory_space<vmem>>) semaphore(%run_scoped3A : memref<!tpu.dma_semaphore, #tpu.memory_space<semaphore_mem>>) {add = true}
        %dma_wait3A_193 = arith.constant 0 : i32
        %dma_wait3A_194 = arith.constant 0 : i32
        %dma_wait3A_195 = tpu.memref_slice %arg22[%dma_wait3A_193, %dma_wait3A_194] : memref<10240x128xf32, #tpu.memory_space<vmem_shared>> -> memref<10240x128xf32, #tpu.memory_space<vmem_shared>>
        tpu.wait_indirect_dma semaphore(%run_scoped3A : memref<!tpu.dma_semaphore, #tpu.memory_space<semaphore_mem>>) src(%arg16 : memref<128x128xf32, #tpu.memory_space<vmem>>) dst(%dma_wait3A_195 : memref<10240x128xf32, #tpu.memory_space<vmem_shared>>)
        tpu.yield
      }) : () -> ()
      %add3A_160 = arith.constant 1 : i32
      %add3A_161 = arith.addi %add3A_153, %add3A_160 : i32
      %lt3A_162 = arith.cmpi slt, %add3A_161, %select_n3A_12 : i32
      %convert_element_type3A_163 = arith.extui %lt3A_162 : i1 to i32
      %cond3A_164 = arith.constant 0 : i32
      %cond3A_165 = arith.cmpi ne, %convert_element_type3A_163, %cond3A_164 : i32
      scf.if %cond3A_165 {
        %dma_wait3A_190 = arith.constant 0 : i32
        %dma_wait3A_191 = tpu.memref_slice %arg3[%dma_wait3A_190] : memref<320000xi32, #tpu.memory_space<hbm>> -> memref<128xi32, #tpu.memory_space<hbm>>
        %dma_wait3A_192 = arith.constant 0 : i32
        %dma_wait3A_193 = tpu.memref_slice %arg3[%dma_wait3A_192] : memref<320000xi32, #tpu.memory_space<hbm>> -> memref<128xi32, #tpu.memory_space<hbm>>
        tpu.wait_dma2 semaphore(%arg20 : memref<!tpu.dma_semaphore, #tpu.memory_space<semaphore_mem>>) src(%dma_wait3A_193 : memref<128xi32, #tpu.memory_space<hbm>>) dst(%arg8 : memref<128xi32, #tpu.memory_space<vmem>>)
        %dma_wait3A_194 = arith.constant 0 : i32
        %dma_wait3A_195 = tpu.memref_slice %arg4[%dma_wait3A_194] : memref<320000xi32, #tpu.memory_space<hbm>> -> memref<128xi32, #tpu.memory_space<hbm>>
        %dma_wait3A_196 = arith.constant 0 : i32
        %dma_wait3A_197 = tpu.memref_slice %arg4[%dma_wait3A_196] : memref<320000xi32, #tpu.memory_space<hbm>> -> memref<128xi32, #tpu.memory_space<hbm>>
        tpu.wait_dma2 semaphore(%arg20 : memref<!tpu.dma_semaphore, #tpu.memory_space<semaphore_mem>>) src(%dma_wait3A_197 : memref<128xi32, #tpu.memory_space<hbm>>) dst(%arg12 : memref<128xi32, #tpu.memory_space<vmem>>)
        %dma_start3A_198 = arith.constant 0 : i32
        %dma_start3A_199 = arith.constant 0 : i32
        %dma_start3A_200 = tpu.memref_slice %arg2[%dma_start3A_198, %dma_start3A_199] : memref<10000x128xf32, #tpu.memory_space<hbm>> -> memref<10000x128xf32, #tpu.memory_space<hbm>>
        tpu.enqueue_indirect_dma source(%dma_start3A_200 : memref<10000x128xf32, #tpu.memory_space<hbm>>) target(%arg16 : memref<128x128xf32, #tpu.memory_space<vmem>>) offsets(%arg8 : memref<128xi32, #tpu.memory_space<vmem>>) semaphore(%arg18 : memref<!tpu.dma_semaphore, #tpu.memory_space<semaphore_mem>>)
      } else {
      }
      %add3A_166 = arith.constant 2 : i32
      %add3A_167 = arith.addi %add3A_153, %add3A_166 : i32
      %lt3A_168 = arith.cmpi slt, %add3A_167, %select_n3A_12 : i32
      %convert_element_type3A_169 = arith.extui %lt3A_168 : i1 to i32
      %cond3A_170 = arith.constant 0 : i32
      %cond3A_171 = arith.cmpi ne, %convert_element_type3A_169, %cond3A_170 : i32
      scf.if %cond3A_171 {
        %add3A_190 = arith.constant 2 : i32
        %add3A_191 = arith.addi %add3A_153, %add3A_190 : i32
        %mul3A_192 = arith.constant 2 : i32
        %mul3A_193 = arith.muli %mul3A_192, %add3A_191 : i32
        %add3A_194 = arith.addi %select_n3A, %mul3A_193 : i32
        %add3A_195 = arith.constant 0 : i32
        %add3A_196 = arith.addi %add3A_194, %add3A_195 : i32
        %mul3A_197 = arith.constant 128 : i32
        %mul3A_198 = arith.muli %add3A_196, %mul3A_197 : i32
        %dma_start3A_199 = tpu.memref_slice %arg3[%mul3A_198] : memref<320000xi32, #tpu.memory_space<hbm>> -> memref<128xi32, #tpu.memory_space<hbm>>
        %dma_start3A_200 = tpu.memref_slice %arg3[%mul3A_198] : memref<320000xi32, #tpu.memory_space<hbm>> -> memref<128xi32, #tpu.memory_space<hbm>>
        tpu.enqueue_dma source(%dma_start3A_200 : memref<128xi32, #tpu.memory_space<hbm>>) target(%arg9 : memref<128xi32, #tpu.memory_space<vmem>>) target_semaphore(%arg20 : memref<!tpu.dma_semaphore, #tpu.memory_space<semaphore_mem>>)
        %add3A_201 = arith.constant 2 : i32
        %add3A_202 = arith.addi %add3A_153, %add3A_201 : i32
        %mul3A_203 = arith.constant 2 : i32
        %mul3A_204 = arith.muli %mul3A_203, %add3A_202 : i32
        %add3A_205 = arith.addi %select_n3A, %mul3A_204 : i32
        %add3A_206 = arith.constant 0 : i32
        %add3A_207 = arith.addi %add3A_205, %add3A_206 : i32
        %mul3A_208 = arith.constant 128 : i32
        %mul3A_209 = arith.muli %add3A_207, %mul3A_208 : i32
        %dma_start3A_210 = tpu.memref_slice %arg4[%mul3A_209] : memref<320000xi32, #tpu.memory_space<hbm>> -> memref<128xi32, #tpu.memory_space<hbm>>
        %dma_start3A_211 = tpu.memref_slice %arg4[%mul3A_209] : memref<320000xi32, #tpu.memory_space<hbm>> -> memref<128xi32, #tpu.memory_space<hbm>>
        tpu.enqueue_dma source(%dma_start3A_211 : memref<128xi32, #tpu.memory_space<hbm>>) target(%arg13 : memref<128xi32, #tpu.memory_space<vmem>>) target_semaphore(%arg20 : memref<!tpu.dma_semaphore, #tpu.memory_space<semaphore_mem>>)
      } else {
      }
      %dma_wait3A_172 = arith.constant 0 : i32
      %dma_wait3A_173 = arith.constant 0 : i32
      %dma_wait3A_174 = tpu.memref_slice %arg2[%dma_wait3A_172, %dma_wait3A_173] : memref<10000x128xf32, #tpu.memory_space<hbm>> -> memref<128x128xf32, #tpu.memory_space<hbm>>
      %dma_wait3A_175 = arith.constant 0 : i32
      %dma_wait3A_176 = arith.constant 0 : i32
      %dma_wait3A_177 = tpu.memref_slice %arg2[%dma_wait3A_175, %dma_wait3A_176] : memref<10000x128xf32, #tpu.memory_space<hbm>> -> memref<128x128xf32, #tpu.memory_space<hbm>>
      tpu.wait_dma2 semaphore(%arg19 : memref<!tpu.dma_semaphore, #tpu.memory_space<semaphore_mem>>) src(%dma_wait3A_177 : memref<128x128xf32, #tpu.memory_space<hbm>>) dst(%arg17 : memref<128x128xf32, #tpu.memory_space<vmem>>)
      "tpu.region"() ({
        %run_scoped3A = tpu.sem_alloc : memref<!tpu.dma_semaphore, #tpu.memory_space<semaphore_mem>>
        %dma_start3A_190 = arith.constant 0 : i32
        %dma_start3A_191 = arith.constant 0 : i32
        %dma_start3A_192 = tpu.memref_slice %arg22[%dma_start3A_190, %dma_start3A_191] : memref<10240x128xf32, #tpu.memory_space<vmem_shared>> -> memref<10240x128xf32, #tpu.memory_space<vmem_shared>>
        tpu.enqueue_indirect_dma source(%arg17 : memref<128x128xf32, #tpu.memory_space<vmem>>) target(%dma_start3A_192 : memref<10240x128xf32, #tpu.memory_space<vmem_shared>>) offsets(%arg15 : memref<128xi32, #tpu.memory_space<vmem>>) semaphore(%run_scoped3A : memref<!tpu.dma_semaphore, #tpu.memory_space<semaphore_mem>>) {add = true}
        %dma_wait3A_193 = arith.constant 0 : i32
        %dma_wait3A_194 = arith.constant 0 : i32
        %dma_wait3A_195 = tpu.memref_slice %arg22[%dma_wait3A_193, %dma_wait3A_194] : memref<10240x128xf32, #tpu.memory_space<vmem_shared>> -> memref<10240x128xf32, #tpu.memory_space<vmem_shared>>
        tpu.wait_indirect_dma semaphore(%run_scoped3A : memref<!tpu.dma_semaphore, #tpu.memory_space<semaphore_mem>>) src(%arg17 : memref<128x128xf32, #tpu.memory_space<vmem>>) dst(%dma_wait3A_195 : memref<10240x128xf32, #tpu.memory_space<vmem_shared>>)
        tpu.yield
      }) : () -> ()
      %add3A_178 = arith.constant 1 : i32
      %add3A_179 = arith.addi %add3A_153, %add3A_178 : i32
      %lt3A_180 = arith.cmpi slt, %add3A_179, %select_n3A_12 : i32
      %convert_element_type3A_181 = arith.extui %lt3A_180 : i1 to i32
      %cond3A_182 = arith.constant 0 : i32
      %cond3A_183 = arith.cmpi ne, %convert_element_type3A_181, %cond3A_182 : i32
      scf.if %cond3A_183 {
        %dma_wait3A_190 = arith.constant 0 : i32
        %dma_wait3A_191 = tpu.memref_slice %arg3[%dma_wait3A_190] : memref<320000xi32, #tpu.memory_space<hbm>> -> memref<128xi32, #tpu.memory_space<hbm>>
        %dma_wait3A_192 = arith.constant 0 : i32
        %dma_wait3A_193 = tpu.memref_slice %arg3[%dma_wait3A_192] : memref<320000xi32, #tpu.memory_space<hbm>> -> memref<128xi32, #tpu.memory_space<hbm>>
        tpu.wait_dma2 semaphore(%arg21 : memref<!tpu.dma_semaphore, #tpu.memory_space<semaphore_mem>>) src(%dma_wait3A_193 : memref<128xi32, #tpu.memory_space<hbm>>) dst(%arg10 : memref<128xi32, #tpu.memory_space<vmem>>)
        %dma_wait3A_194 = arith.constant 0 : i32
        %dma_wait3A_195 = tpu.memref_slice %arg4[%dma_wait3A_194] : memref<320000xi32, #tpu.memory_space<hbm>> -> memref<128xi32, #tpu.memory_space<hbm>>
        %dma_wait3A_196 = arith.constant 0 : i32
        %dma_wait3A_197 = tpu.memref_slice %arg4[%dma_wait3A_196] : memref<320000xi32, #tpu.memory_space<hbm>> -> memref<128xi32, #tpu.memory_space<hbm>>
        tpu.wait_dma2 semaphore(%arg21 : memref<!tpu.dma_semaphore, #tpu.memory_space<semaphore_mem>>) src(%dma_wait3A_197 : memref<128xi32, #tpu.memory_space<hbm>>) dst(%arg14 : memref<128xi32, #tpu.memory_space<vmem>>)
        %dma_start3A_198 = arith.constant 0 : i32
        %dma_start3A_199 = arith.constant 0 : i32
        %dma_start3A_200 = tpu.memref_slice %arg2[%dma_start3A_198, %dma_start3A_199] : memref<10000x128xf32, #tpu.memory_space<hbm>> -> memref<10000x128xf32, #tpu.memory_space<hbm>>
        tpu.enqueue_indirect_dma source(%dma_start3A_200 : memref<10000x128xf32, #tpu.memory_space<hbm>>) target(%arg17 : memref<128x128xf32, #tpu.memory_space<vmem>>) offsets(%arg10 : memref<128xi32, #tpu.memory_space<vmem>>) semaphore(%arg19 : memref<!tpu.dma_semaphore, #tpu.memory_space<semaphore_mem>>)
      } else {
      }
      %add3A_184 = arith.constant 2 : i32
      %add3A_185 = arith.addi %add3A_153, %add3A_184 : i32
      %lt3A_186 = arith.cmpi slt, %add3A_185, %select_n3A_12 : i32
      %convert_element_type3A_187 = arith.extui %lt3A_186 : i1 to i32
      %cond3A_188 = arith.constant 0 : i32
      %cond3A_189 = arith.cmpi ne, %convert_element_type3A_187, %cond3A_188 : i32
      scf.if %cond3A_189 {
        %add3A_190 = arith.constant 2 : i32
        %add3A_191 = arith.addi %add3A_153, %add3A_190 : i32
        %mul3A_192 = arith.constant 2 : i32
        %mul3A_193 = arith.muli %mul3A_192, %add3A_191 : i32
        %add3A_194 = arith.addi %select_n3A, %mul3A_193 : i32
        %add3A_195 = arith.constant 1 : i32
        %add3A_196 = arith.addi %add3A_194, %add3A_195 : i32
        %mul3A_197 = arith.constant 128 : i32
        %mul3A_198 = arith.muli %add3A_196, %mul3A_197 : i32
        %dma_start3A_199 = tpu.memref_slice %arg3[%mul3A_198] : memref<320000xi32, #tpu.memory_space<hbm>> -> memref<128xi32, #tpu.memory_space<hbm>>
        %dma_start3A_200 = tpu.memref_slice %arg3[%mul3A_198] : memref<320000xi32, #tpu.memory_space<hbm>> -> memref<128xi32, #tpu.memory_space<hbm>>
        tpu.enqueue_dma source(%dma_start3A_200 : memref<128xi32, #tpu.memory_space<hbm>>) target(%arg11 : memref<128xi32, #tpu.memory_space<vmem>>) target_semaphore(%arg21 : memref<!tpu.dma_semaphore, #tpu.memory_space<semaphore_mem>>)
        %add3A_201 = arith.constant 2 : i32
        %add3A_202 = arith.addi %add3A_153, %add3A_201 : i32
        %mul3A_203 = arith.constant 2 : i32
        %mul3A_204 = arith.muli %mul3A_203, %add3A_202 : i32
        %add3A_205 = arith.addi %select_n3A, %mul3A_204 : i32
        %add3A_206 = arith.constant 1 : i32
        %add3A_207 = arith.addi %add3A_205, %add3A_206 : i32
        %mul3A_208 = arith.constant 128 : i32
        %mul3A_209 = arith.muli %add3A_207, %mul3A_208 : i32
        %dma_start3A_210 = tpu.memref_slice %arg4[%mul3A_209] : memref<320000xi32, #tpu.memory_space<hbm>> -> memref<128xi32, #tpu.memory_space<hbm>>
        %dma_start3A_211 = tpu.memref_slice %arg4[%mul3A_209] : memref<320000xi32, #tpu.memory_space<hbm>> -> memref<128xi32, #tpu.memory_space<hbm>>
        tpu.enqueue_dma source(%dma_start3A_211 : memref<128xi32, #tpu.memory_space<hbm>>) target(%arg15 : memref<128xi32, #tpu.memory_space<vmem>>) target_semaphore(%arg21 : memref<!tpu.dma_semaphore, #tpu.memory_space<semaphore_mem>>)
      } else {
      }
    }
    %while3A_101 = arith.constant 1 : i32
    scf.for %while3A_110 = %while3A_99 to %while3A_95 step %while3A_101  : i32 {
      %mul3A_111 = arith.constant 2 : i32
      %mul3A_112 = arith.muli %mul3A_111, %while3A_110 : i32
      %add3A_113 = arith.constant 0 : i32
      %add3A_114 = arith.addi %mul3A_112, %add3A_113 : i32
      %dma_wait3A = arith.constant 0 : i32
      %dma_wait3A_115 = arith.constant 0 : i32
      %dma_wait3A_116 = tpu.memref_slice %arg2[%dma_wait3A, %dma_wait3A_115] : memref<10000x128xf32, #tpu.memory_space<hbm>> -> memref<128x128xf32, #tpu.memory_space<hbm>>
      %dma_wait3A_117 = arith.constant 0 : i32
      %dma_wait3A_118 = arith.constant 0 : i32
      %dma_wait3A_119 = tpu.memref_slice %arg2[%dma_wait3A_117, %dma_wait3A_118] : memref<10000x128xf32, #tpu.memory_space<hbm>> -> memref<128x128xf32, #tpu.memory_space<hbm>>
      tpu.wait_dma2 semaphore(%arg18 : memref<!tpu.dma_semaphore, #tpu.memory_space<semaphore_mem>>) src(%dma_wait3A_119 : memref<128x128xf32, #tpu.memory_space<hbm>>) dst(%arg16 : memref<128x128xf32, #tpu.memory_space<vmem>>)
      "tpu.region"() ({
        %run_scoped3A = tpu.sem_alloc : memref<!tpu.dma_semaphore, #tpu.memory_space<semaphore_mem>>
        %dma_start3A_190 = arith.constant 0 : i32
        %dma_start3A_191 = arith.constant 0 : i32
        %dma_start3A_192 = tpu.memref_slice %arg22[%dma_start3A_190, %dma_start3A_191] : memref<10240x128xf32, #tpu.memory_space<vmem_shared>> -> memref<10240x128xf32, #tpu.memory_space<vmem_shared>>
        tpu.enqueue_indirect_dma source(%arg16 : memref<128x128xf32, #tpu.memory_space<vmem>>) target(%dma_start3A_192 : memref<10240x128xf32, #tpu.memory_space<vmem_shared>>) offsets(%arg12 : memref<128xi32, #tpu.memory_space<vmem>>) semaphore(%run_scoped3A : memref<!tpu.dma_semaphore, #tpu.memory_space<semaphore_mem>>) {add = true}
        %dma_wait3A_193 = arith.constant 0 : i32
        %dma_wait3A_194 = arith.constant 0 : i32
        %dma_wait3A_195 = tpu.memref_slice %arg22[%dma_wait3A_193, %dma_wait3A_194] : memref<10240x128xf32, #tpu.memory_space<vmem_shared>> -> memref<10240x128xf32, #tpu.memory_space<vmem_shared>>
        tpu.wait_indirect_dma semaphore(%run_scoped3A : memref<!tpu.dma_semaphore, #tpu.memory_space<semaphore_mem>>) src(%arg16 : memref<128x128xf32, #tpu.memory_space<vmem>>) dst(%dma_wait3A_195 : memref<10240x128xf32, #tpu.memory_space<vmem_shared>>)
        tpu.yield
      }) : () -> ()
      %add3A_120 = arith.constant 1 : i32
      %add3A_121 = arith.addi %add3A_114, %add3A_120 : i32
      %lt3A_122 = arith.cmpi slt, %add3A_121, %select_n3A_12 : i32
      %convert_element_type3A_123 = arith.extui %lt3A_122 : i1 to i32
      %cond3A_124 = arith.constant 0 : i32
      %cond3A_125 = arith.cmpi ne, %convert_element_type3A_123, %cond3A_124 : i32
      scf.if %cond3A_125 {
        %dma_wait3A_190 = arith.constant 0 : i32
        %dma_wait3A_191 = tpu.memref_slice %arg3[%dma_wait3A_190] : memref<320000xi32, #tpu.memory_space<hbm>> -> memref<128xi32, #tpu.memory_space<hbm>>
        %dma_wait3A_192 = arith.constant 0 : i32
        %dma_wait3A_193 = tpu.memref_slice %arg3[%dma_wait3A_192] : memref<320000xi32, #tpu.memory_space<hbm>> -> memref<128xi32, #tpu.memory_space<hbm>>
        tpu.wait_dma2 semaphore(%arg20 : memref<!tpu.dma_semaphore, #tpu.memory_space<semaphore_mem>>) src(%dma_wait3A_193 : memref<128xi32, #tpu.memory_space<hbm>>) dst(%arg9 : memref<128xi32, #tpu.memory_space<vmem>>)
        %dma_wait3A_194 = arith.constant 0 : i32
        %dma_wait3A_195 = tpu.memref_slice %arg4[%dma_wait3A_194] : memref<320000xi32, #tpu.memory_space<hbm>> -> memref<128xi32, #tpu.memory_space<hbm>>
        %dma_wait3A_196 = arith.constant 0 : i32
        %dma_wait3A_197 = tpu.memref_slice %arg4[%dma_wait3A_196] : memref<320000xi32, #tpu.memory_space<hbm>> -> memref<128xi32, #tpu.memory_space<hbm>>
        tpu.wait_dma2 semaphore(%arg20 : memref<!tpu.dma_semaphore, #tpu.memory_space<semaphore_mem>>) src(%dma_wait3A_197 : memref<128xi32, #tpu.memory_space<hbm>>) dst(%arg13 : memref<128xi32, #tpu.memory_space<vmem>>)
        %dma_start3A_198 = arith.constant 0 : i32
        %dma_start3A_199 = arith.constant 0 : i32
        %dma_start3A_200 = tpu.memref_slice %arg2[%dma_start3A_198, %dma_start3A_199] : memref<10000x128xf32, #tpu.memory_space<hbm>> -> memref<10000x128xf32, #tpu.memory_space<hbm>>
        tpu.enqueue_indirect_dma source(%dma_start3A_200 : memref<10000x128xf32, #tpu.memory_space<hbm>>) target(%arg16 : memref<128x128xf32, #tpu.memory_space<vmem>>) offsets(%arg9 : memref<128xi32, #tpu.memory_space<vmem>>) semaphore(%arg18 : memref<!tpu.dma_semaphore, #tpu.memory_space<semaphore_mem>>)
      } else {
      }
      %add3A_126 = arith.constant 2 : i32
      %add3A_127 = arith.addi %add3A_114, %add3A_126 : i32
      %lt3A_128 = arith.cmpi slt, %add3A_127, %select_n3A_12 : i32
      %convert_element_type3A_129 = arith.extui %lt3A_128 : i1 to i32
      %cond3A_130 = arith.constant 0 : i32
      %cond3A_131 = arith.cmpi ne, %convert_element_type3A_129, %cond3A_130 : i32
      scf.if %cond3A_131 {
        %add3A_190 = arith.constant 2 : i32
        %add3A_191 = arith.addi %add3A_114, %add3A_190 : i32
        %mul3A_192 = arith.constant 2 : i32
        %mul3A_193 = arith.muli %mul3A_192, %add3A_191 : i32
        %add3A_194 = arith.addi %select_n3A, %mul3A_193 : i32
        %add3A_195 = arith.constant 0 : i32
        %add3A_196 = arith.addi %add3A_194, %add3A_195 : i32
        %mul3A_197 = arith.constant 128 : i32
        %mul3A_198 = arith.muli %add3A_196, %mul3A_197 : i32
        %dma_start3A_199 = tpu.memref_slice %arg3[%mul3A_198] : memref<320000xi32, #tpu.memory_space<hbm>> -> memref<128xi32, #tpu.memory_space<hbm>>
        %dma_start3A_200 = tpu.memref_slice %arg3[%mul3A_198] : memref<320000xi32, #tpu.memory_space<hbm>> -> memref<128xi32, #tpu.memory_space<hbm>>
        tpu.enqueue_dma source(%dma_start3A_200 : memref<128xi32, #tpu.memory_space<hbm>>) target(%arg8 : memref<128xi32, #tpu.memory_space<vmem>>) target_semaphore(%arg20 : memref<!tpu.dma_semaphore, #tpu.memory_space<semaphore_mem>>)
        %add3A_201 = arith.constant 2 : i32
        %add3A_202 = arith.addi %add3A_114, %add3A_201 : i32
        %mul3A_203 = arith.constant 2 : i32
        %mul3A_204 = arith.muli %mul3A_203, %add3A_202 : i32
        %add3A_205 = arith.addi %select_n3A, %mul3A_204 : i32
        %add3A_206 = arith.constant 0 : i32
        %add3A_207 = arith.addi %add3A_205, %add3A_206 : i32
        %mul3A_208 = arith.constant 128 : i32
        %mul3A_209 = arith.muli %add3A_207, %mul3A_208 : i32
        %dma_start3A_210 = tpu.memref_slice %arg4[%mul3A_209] : memref<320000xi32, #tpu.memory_space<hbm>> -> memref<128xi32, #tpu.memory_space<hbm>>
        %dma_start3A_211 = tpu.memref_slice %arg4[%mul3A_209] : memref<320000xi32, #tpu.memory_space<hbm>> -> memref<128xi32, #tpu.memory_space<hbm>>
        tpu.enqueue_dma source(%dma_start3A_211 : memref<128xi32, #tpu.memory_space<hbm>>) target(%arg12 : memref<128xi32, #tpu.memory_space<vmem>>) target_semaphore(%arg20 : memref<!tpu.dma_semaphore, #tpu.memory_space<semaphore_mem>>)
      } else {
      }
      %dma_wait3A_132 = arith.constant 0 : i32
      %dma_wait3A_133 = arith.constant 0 : i32
      %dma_wait3A_134 = tpu.memref_slice %arg2[%dma_wait3A_132, %dma_wait3A_133] : memref<10000x128xf32, #tpu.memory_space<hbm>> -> memref<128x128xf32, #tpu.memory_space<hbm>>
      %dma_wait3A_135 = arith.constant 0 : i32
      %dma_wait3A_136 = arith.constant 0 : i32
      %dma_wait3A_137 = tpu.memref_slice %arg2[%dma_wait3A_135, %dma_wait3A_136] : memref<10000x128xf32, #tpu.memory_space<hbm>> -> memref<128x128xf32, #tpu.memory_space<hbm>>
      tpu.wait_dma2 semaphore(%arg19 : memref<!tpu.dma_semaphore, #tpu.memory_space<semaphore_mem>>) src(%dma_wait3A_137 : memref<128x128xf32, #tpu.memory_space<hbm>>) dst(%arg17 : memref<128x128xf32, #tpu.memory_space<vmem>>)
      "tpu.region"() ({
        %run_scoped3A = tpu.sem_alloc : memref<!tpu.dma_semaphore, #tpu.memory_space<semaphore_mem>>
        %dma_start3A_190 = arith.constant 0 : i32
        %dma_start3A_191 = arith.constant 0 : i32
        %dma_start3A_192 = tpu.memref_slice %arg22[%dma_start3A_190, %dma_start3A_191] : memref<10240x128xf32, #tpu.memory_space<vmem_shared>> -> memref<10240x128xf32, #tpu.memory_space<vmem_shared>>
        tpu.enqueue_indirect_dma source(%arg17 : memref<128x128xf32, #tpu.memory_space<vmem>>) target(%dma_start3A_192 : memref<10240x128xf32, #tpu.memory_space<vmem_shared>>) offsets(%arg14 : memref<128xi32, #tpu.memory_space<vmem>>) semaphore(%run_scoped3A : memref<!tpu.dma_semaphore, #tpu.memory_space<semaphore_mem>>) {add = true}
        %dma_wait3A_193 = arith.constant 0 : i32
        %dma_wait3A_194 = arith.constant 0 : i32
        %dma_wait3A_195 = tpu.memref_slice %arg22[%dma_wait3A_193, %dma_wait3A_194] : memref<10240x128xf32, #tpu.memory_space<vmem_shared>> -> memref<10240x128xf32, #tpu.memory_space<vmem_shared>>
        tpu.wait_indirect_dma semaphore(%run_scoped3A : memref<!tpu.dma_semaphore, #tpu.memory_space<semaphore_mem>>) src(%arg17 : memref<128x128xf32, #tpu.memory_space<vmem>>) dst(%dma_wait3A_195 : memref<10240x128xf32, #tpu.memory_space<vmem_shared>>)
        tpu.yield
      }) : () -> ()
      %add3A_138 = arith.constant 1 : i32
      %add3A_139 = arith.addi %add3A_114, %add3A_138 : i32
      %lt3A_140 = arith.cmpi slt, %add3A_139, %select_n3A_12 : i32
      %convert_element_type3A_141 = arith.extui %lt3A_140 : i1 to i32
      %cond3A_142 = arith.constant 0 : i32
      %cond3A_143 = arith.cmpi ne, %convert_element_type3A_141, %cond3A_142 : i32
      scf.if %cond3A_143 {
        %dma_wait3A_190 = arith.constant 0 : i32
        %dma_wait3A_191 = tpu.memref_slice %arg3[%dma_wait3A_190] : memref<320000xi32, #tpu.memory_space<hbm>> -> memref<128xi32, #tpu.memory_space<hbm>>
        %dma_wait3A_192 = arith.constant 0 : i32
        %dma_wait3A_193 = tpu.memref_slice %arg3[%dma_wait3A_192] : memref<320000xi32, #tpu.memory_space<hbm>> -> memref<128xi32, #tpu.memory_space<hbm>>
        tpu.wait_dma2 semaphore(%arg21 : memref<!tpu.dma_semaphore, #tpu.memory_space<semaphore_mem>>) src(%dma_wait3A_193 : memref<128xi32, #tpu.memory_space<hbm>>) dst(%arg11 : memref<128xi32, #tpu.memory_space<vmem>>)
        %dma_wait3A_194 = arith.constant 0 : i32
        %dma_wait3A_195 = tpu.memref_slice %arg4[%dma_wait3A_194] : memref<320000xi32, #tpu.memory_space<hbm>> -> memref<128xi32, #tpu.memory_space<hbm>>
        %dma_wait3A_196 = arith.constant 0 : i32
        %dma_wait3A_197 = tpu.memref_slice %arg4[%dma_wait3A_196] : memref<320000xi32, #tpu.memory_space<hbm>> -> memref<128xi32, #tpu.memory_space<hbm>>
        tpu.wait_dma2 semaphore(%arg21 : memref<!tpu.dma_semaphore, #tpu.memory_space<semaphore_mem>>) src(%dma_wait3A_197 : memref<128xi32, #tpu.memory_space<hbm>>) dst(%arg15 : memref<128xi32, #tpu.memory_space<vmem>>)
        %dma_start3A_198 = arith.constant 0 : i32
        %dma_start3A_199 = arith.constant 0 : i32
        %dma_start3A_200 = tpu.memref_slice %arg2[%dma_start3A_198, %dma_start3A_199] : memref<10000x128xf32, #tpu.memory_space<hbm>> -> memref<10000x128xf32, #tpu.memory_space<hbm>>
        tpu.enqueue_indirect_dma source(%dma_start3A_200 : memref<10000x128xf32, #tpu.memory_space<hbm>>) target(%arg17 : memref<128x128xf32, #tpu.memory_space<vmem>>) offsets(%arg11 : memref<128xi32, #tpu.memory_space<vmem>>) semaphore(%arg19 : memref<!tpu.dma_semaphore, #tpu.memory_space<semaphore_mem>>)
      } else {
      }
      %add3A_144 = arith.constant 2 : i32
      %add3A_145 = arith.addi %add3A_114, %add3A_144 : i32
      %lt3A_146 = arith.cmpi slt, %add3A_145, %select_n3A_12 : i32
      %convert_element_type3A_147 = arith.extui %lt3A_146 : i1 to i32
      %cond3A_148 = arith.constant 0 : i32
      %cond3A_149 = arith.cmpi ne, %convert_element_type3A_147, %cond3A_148 : i32
      scf.if %cond3A_149 {
        %add3A_190 = arith.constant 2 : i32
        %add3A_191 = arith.addi %add3A_114, %add3A_190 : i32
        %mul3A_192 = arith.constant 2 : i32
        %mul3A_193 = arith.muli %mul3A_192, %add3A_191 : i32
        %add3A_194 = arith.addi %select_n3A, %mul3A_193 : i32
        %add3A_195 = arith.constant 1 : i32
        %add3A_196 = arith.addi %add3A_194, %add3A_195 : i32
        %mul3A_197 = arith.constant 128 : i32
        %mul3A_198 = arith.muli %add3A_196, %mul3A_197 : i32
        %dma_start3A_199 = tpu.memref_slice %arg3[%mul3A_198] : memref<320000xi32, #tpu.memory_space<hbm>> -> memref<128xi32, #tpu.memory_space<hbm>>
        %dma_start3A_200 = tpu.memref_slice %arg3[%mul3A_198] : memref<320000xi32, #tpu.memory_space<hbm>> -> memref<128xi32, #tpu.memory_space<hbm>>
        tpu.enqueue_dma source(%dma_start3A_200 : memref<128xi32, #tpu.memory_space<hbm>>) target(%arg10 : memref<128xi32, #tpu.memory_space<vmem>>) target_semaphore(%arg21 : memref<!tpu.dma_semaphore, #tpu.memory_space<semaphore_mem>>)
        %add3A_201 = arith.constant 2 : i32
        %add3A_202 = arith.addi %add3A_114, %add3A_201 : i32
        %mul3A_203 = arith.constant 2 : i32
        %mul3A_204 = arith.muli %mul3A_203, %add3A_202 : i32
        %add3A_205 = arith.addi %select_n3A, %mul3A_204 : i32
        %add3A_206 = arith.constant 1 : i32
        %add3A_207 = arith.addi %add3A_205, %add3A_206 : i32
        %mul3A_208 = arith.constant 128 : i32
        %mul3A_209 = arith.muli %add3A_207, %mul3A_208 : i32
        %dma_start3A_210 = tpu.memref_slice %arg4[%mul3A_209] : memref<320000xi32, #tpu.memory_space<hbm>> -> memref<128xi32, #tpu.memory_space<hbm>>
        %dma_start3A_211 = tpu.memref_slice %arg4[%mul3A_209] : memref<320000xi32, #tpu.memory_space<hbm>> -> memref<128xi32, #tpu.memory_space<hbm>>
        tpu.enqueue_dma source(%dma_start3A_211 : memref<128xi32, #tpu.memory_space<hbm>>) target(%arg14 : memref<128xi32, #tpu.memory_space<vmem>>) target_semaphore(%arg21 : memref<!tpu.dma_semaphore, #tpu.memory_space<semaphore_mem>>)
      } else {
      }
      %mul3A_150 = arith.constant 2 : i32
      %mul3A_151 = arith.muli %mul3A_150, %while3A_110 : i32
      %add3A_152 = arith.constant 1 : i32
      %add3A_153 = arith.addi %mul3A_151, %add3A_152 : i32
      %dma_wait3A_154 = arith.constant 0 : i32
      %dma_wait3A_155 = arith.constant 0 : i32
      %dma_wait3A_156 = tpu.memref_slice %arg2[%dma_wait3A_154, %dma_wait3A_155] : memref<10000x128xf32, #tpu.memory_space<hbm>> -> memref<128x128xf32, #tpu.memory_space<hbm>>
      %dma_wait3A_157 = arith.constant 0 : i32
      %dma_wait3A_158 = arith.constant 0 : i32
      %dma_wait3A_159 = tpu.memref_slice %arg2[%dma_wait3A_157, %dma_wait3A_158] : memref<10000x128xf32, #tpu.memory_space<hbm>> -> memref<128x128xf32, #tpu.memory_space<hbm>>
      tpu.wait_dma2 semaphore(%arg18 : memref<!tpu.dma_semaphore, #tpu.memory_space<semaphore_mem>>) src(%dma_wait3A_159 : memref<128x128xf32, #tpu.memory_space<hbm>>) dst(%arg16 : memref<128x128xf32, #tpu.memory_space<vmem>>)
      "tpu.region"() ({
        %run_scoped3A = tpu.sem_alloc : memref<!tpu.dma_semaphore, #tpu.memory_space<semaphore_mem>>
        %dma_start3A_190 = arith.constant 0 : i32
        %dma_start3A_191 = arith.constant 0 : i32
        %dma_start3A_192 = tpu.memref_slice %arg22[%dma_start3A_190, %dma_start3A_191] : memref<10240x128xf32, #tpu.memory_space<vmem_shared>> -> memref<10240x128xf32, #tpu.memory_space<vmem_shared>>
        tpu.enqueue_indirect_dma source(%arg16 : memref<128x128xf32, #tpu.memory_space<vmem>>) target(%dma_start3A_192 : memref<10240x128xf32, #tpu.memory_space<vmem_shared>>) offsets(%arg13 : memref<128xi32, #tpu.memory_space<vmem>>) semaphore(%run_scoped3A : memref<!tpu.dma_semaphore, #tpu.memory_space<semaphore_mem>>) {add = true}
        %dma_wait3A_193 = arith.constant 0 : i32
        %dma_wait3A_194 = arith.constant 0 : i32
        %dma_wait3A_195 = tpu.memref_slice %arg22[%dma_wait3A_193, %dma_wait3A_194] : memref<10240x128xf32, #tpu.memory_space<vmem_shared>> -> memref<10240x128xf32, #tpu.memory_space<vmem_shared>>
        tpu.wait_indirect_dma semaphore(%run_scoped3A : memref<!tpu.dma_semaphore, #tpu.memory_space<semaphore_mem>>) src(%arg16 : memref<128x128xf32, #tpu.memory_space<vmem>>) dst(%dma_wait3A_195 : memref<10240x128xf32, #tpu.memory_space<vmem_shared>>)
        tpu.yield
      }) : () -> ()
      %add3A_160 = arith.constant 1 : i32
      %add3A_161 = arith.addi %add3A_153, %add3A_160 : i32
      %lt3A_162 = arith.cmpi slt, %add3A_161, %select_n3A_12 : i32
      %convert_element_type3A_163 = arith.extui %lt3A_162 : i1 to i32
      %cond3A_164 = arith.constant 0 : i32
      %cond3A_165 = arith.cmpi ne, %convert_element_type3A_163, %cond3A_164 : i32
      scf.if %cond3A_165 {
        %dma_wait3A_190 = arith.constant 0 : i32
        %dma_wait3A_191 = tpu.memref_slice %arg3[%dma_wait3A_190] : memref<320000xi32, #tpu.memory_space<hbm>> -> memref<128xi32, #tpu.memory_space<hbm>>
        %dma_wait3A_192 = arith.constant 0 : i32
        %dma_wait3A_193 = tpu.memref_slice %arg3[%dma_wait3A_192] : memref<320000xi32, #tpu.memory_space<hbm>> -> memref<128xi32, #tpu.memory_space<hbm>>
        tpu.wait_dma2 semaphore(%arg20 : memref<!tpu.dma_semaphore, #tpu.memory_space<semaphore_mem>>) src(%dma_wait3A_193 : memref<128xi32, #tpu.memory_space<hbm>>) dst(%arg8 : memref<128xi32, #tpu.memory_space<vmem>>)
        %dma_wait3A_194 = arith.constant 0 : i32
        %dma_wait3A_195 = tpu.memref_slice %arg4[%dma_wait3A_194] : memref<320000xi32, #tpu.memory_space<hbm>> -> memref<128xi32, #tpu.memory_space<hbm>>
        %dma_wait3A_196 = arith.constant 0 : i32
        %dma_wait3A_197 = tpu.memref_slice %arg4[%dma_wait3A_196] : memref<320000xi32, #tpu.memory_space<hbm>> -> memref<128xi32, #tpu.memory_space<hbm>>
        tpu.wait_dma2 semaphore(%arg20 : memref<!tpu.dma_semaphore, #tpu.memory_space<semaphore_mem>>) src(%dma_wait3A_197 : memref<128xi32, #tpu.memory_space<hbm>>) dst(%arg12 : memref<128xi32, #tpu.memory_space<vmem>>)
        %dma_start3A_198 = arith.constant 0 : i32
        %dma_start3A_199 = arith.constant 0 : i32
        %dma_start3A_200 = tpu.memref_slice %arg2[%dma_start3A_198, %dma_start3A_199] : memref<10000x128xf32, #tpu.memory_space<hbm>> -> memref<10000x128xf32, #tpu.memory_space<hbm>>
        tpu.enqueue_indirect_dma source(%dma_start3A_200 : memref<10000x128xf32, #tpu.memory_space<hbm>>) target(%arg16 : memref<128x128xf32, #tpu.memory_space<vmem>>) offsets(%arg8 : memref<128xi32, #tpu.memory_space<vmem>>) semaphore(%arg18 : memref<!tpu.dma_semaphore, #tpu.memory_space<semaphore_mem>>)
      } else {
      }
      %add3A_166 = arith.constant 2 : i32
      %add3A_167 = arith.addi %add3A_153, %add3A_166 : i32
      %lt3A_168 = arith.cmpi slt, %add3A_167, %select_n3A_12 : i32
      %convert_element_type3A_169 = arith.extui %lt3A_168 : i1 to i32
      %cond3A_170 = arith.constant 0 : i32
      %cond3A_171 = arith.cmpi ne, %convert_element_type3A_169, %cond3A_170 : i32
      scf.if %cond3A_171 {
        %add3A_190 = arith.constant 2 : i32
        %add3A_191 = arith.addi %add3A_153, %add3A_190 : i32
        %mul3A_192 = arith.constant 2 : i32
        %mul3A_193 = arith.muli %mul3A_192, %add3A_191 : i32
        %add3A_194 = arith.addi %select_n3A, %mul3A_193 : i32
        %add3A_195 = arith.constant 0 : i32
        %add3A_196 = arith.addi %add3A_194, %add3A_195 : i32
        %mul3A_197 = arith.constant 128 : i32
        %mul3A_198 = arith.muli %add3A_196, %mul3A_197 : i32
        %dma_start3A_199 = tpu.memref_slice %arg3[%mul3A_198] : memref<320000xi32, #tpu.memory_space<hbm>> -> memref<128xi32, #tpu.memory_space<hbm>>
        %dma_start3A_200 = tpu.memref_slice %arg3[%mul3A_198] : memref<320000xi32, #tpu.memory_space<hbm>> -> memref<128xi32, #tpu.memory_space<hbm>>
        tpu.enqueue_dma source(%dma_start3A_200 : memref<128xi32, #tpu.memory_space<hbm>>) target(%arg9 : memref<128xi32, #tpu.memory_space<vmem>>) target_semaphore(%arg20 : memref<!tpu.dma_semaphore, #tpu.memory_space<semaphore_mem>>)
        %add3A_201 = arith.constant 2 : i32
        %add3A_202 = arith.addi %add3A_153, %add3A_201 : i32
        %mul3A_203 = arith.constant 2 : i32
        %mul3A_204 = arith.muli %mul3A_203, %add3A_202 : i32
        %add3A_205 = arith.addi %select_n3A, %mul3A_204 : i32
        %add3A_206 = arith.constant 0 : i32
        %add3A_207 = arith.addi %add3A_205, %add3A_206 : i32
        %mul3A_208 = arith.constant 128 : i32
        %mul3A_209 = arith.muli %add3A_207, %mul3A_208 : i32
        %dma_start3A_210 = tpu.memref_slice %arg4[%mul3A_209] : memref<320000xi32, #tpu.memory_space<hbm>> -> memref<128xi32, #tpu.memory_space<hbm>>
        %dma_start3A_211 = tpu.memref_slice %arg4[%mul3A_209] : memref<320000xi32, #tpu.memory_space<hbm>> -> memref<128xi32, #tpu.memory_space<hbm>>
        tpu.enqueue_dma source(%dma_start3A_211 : memref<128xi32, #tpu.memory_space<hbm>>) target(%arg13 : memref<128xi32, #tpu.memory_space<vmem>>) target_semaphore(%arg20 : memref<!tpu.dma_semaphore, #tpu.memory_space<semaphore_mem>>)
      } else {
      }
      %dma_wait3A_172 = arith.constant 0 : i32
      %dma_wait3A_173 = arith.constant 0 : i32
      %dma_wait3A_174 = tpu.memref_slice %arg2[%dma_wait3A_172, %dma_wait3A_173] : memref<10000x128xf32, #tpu.memory_space<hbm>> -> memref<128x128xf32, #tpu.memory_space<hbm>>
      %dma_wait3A_175 = arith.constant 0 : i32
      %dma_wait3A_176 = arith.constant 0 : i32
      %dma_wait3A_177 = tpu.memref_slice %arg2[%dma_wait3A_175, %dma_wait3A_176] : memref<10000x128xf32, #tpu.memory_space<hbm>> -> memref<128x128xf32, #tpu.memory_space<hbm>>
      tpu.wait_dma2 semaphore(%arg19 : memref<!tpu.dma_semaphore, #tpu.memory_space<semaphore_mem>>) src(%dma_wait3A_177 : memref<128x128xf32, #tpu.memory_space<hbm>>) dst(%arg17 : memref<128x128xf32, #tpu.memory_space<vmem>>)
      "tpu.region"() ({
        %run_scoped3A = tpu.sem_alloc : memref<!tpu.dma_semaphore, #tpu.memory_space<semaphore_mem>>
        %dma_start3A_190 = arith.constant 0 : i32
        %dma_start3A_191 = arith.constant 0 : i32
        %dma_start3A_192 = tpu.memref_slice %arg22[%dma_start3A_190, %dma_start3A_191] : memref<10240x128xf32, #tpu.memory_space<vmem_shared>> -> memref<10240x128xf32, #tpu.memory_space<vmem_shared>>
        tpu.enqueue_indirect_dma source(%arg17 : memref<128x128xf32, #tpu.memory_space<vmem>>) target(%dma_start3A_192 : memref<10240x128xf32, #tpu.memory_space<vmem_shared>>) offsets(%arg15 : memref<128xi32, #tpu.memory_space<vmem>>) semaphore(%run_scoped3A : memref<!tpu.dma_semaphore, #tpu.memory_space<semaphore_mem>>) {add = true}
        %dma_wait3A_193 = arith.constant 0 : i32
        %dma_wait3A_194 = arith.constant 0 : i32
        %dma_wait3A_195 = tpu.memref_slice %arg22[%dma_wait3A_193, %dma_wait3A_194] : memref<10240x128xf32, #tpu.memory_space<vmem_shared>> -> memref<10240x128xf32, #tpu.memory_space<vmem_shared>>
        tpu.wait_indirect_dma semaphore(%run_scoped3A : memref<!tpu.dma_semaphore, #tpu.memory_space<semaphore_mem>>) src(%arg17 : memref<128x128xf32, #tpu.memory_space<vmem>>) dst(%dma_wait3A_195 : memref<10240x128xf32, #tpu.memory_space<vmem_shared>>)
        tpu.yield
      }) : () -> ()
      %add3A_178 = arith.constant 1 : i32
      %add3A_179 = arith.addi %add3A_153, %add3A_178 : i32
      %lt3A_180 = arith.cmpi slt, %add3A_179, %select_n3A_12 : i32
      %convert_element_type3A_181 = arith.extui %lt3A_180 : i1 to i32
      %cond3A_182 = arith.constant 0 : i32
      %cond3A_183 = arith.cmpi ne, %convert_element_type3A_181, %cond3A_182 : i32
      scf.if %cond3A_183 {
        %dma_wait3A_190 = arith.constant 0 : i32
        %dma_wait3A_191 = tpu.memref_slice %arg3[%dma_wait3A_190] : memref<320000xi32, #tpu.memory_space<hbm>> -> memref<128xi32, #tpu.memory_space<hbm>>
        %dma_wait3A_192 = arith.constant 0 : i32
        %dma_wait3A_193 = tpu.memref_slice %arg3[%dma_wait3A_192] : memref<320000xi32, #tpu.memory_space<hbm>> -> memref<128xi32, #tpu.memory_space<hbm>>
        tpu.wait_dma2 semaphore(%arg21 : memref<!tpu.dma_semaphore, #tpu.memory_space<semaphore_mem>>) src(%dma_wait3A_193 : memref<128xi32, #tpu.memory_space<hbm>>) dst(%arg10 : memref<128xi32, #tpu.memory_space<vmem>>)
        %dma_wait3A_194 = arith.constant 0 : i32
        %dma_wait3A_195 = tpu.memref_slice %arg4[%dma_wait3A_194] : memref<320000xi32, #tpu.memory_space<hbm>> -> memref<128xi32, #tpu.memory_space<hbm>>
        %dma_wait3A_196 = arith.constant 0 : i32
        %dma_wait3A_197 = tpu.memref_slice %arg4[%dma_wait3A_196] : memref<320000xi32, #tpu.memory_space<hbm>> -> memref<128xi32, #tpu.memory_space<hbm>>
        tpu.wait_dma2 semaphore(%arg21 : memref<!tpu.dma_semaphore, #tpu.memory_space<semaphore_mem>>) src(%dma_wait3A_197 : memref<128xi32, #tpu.memory_space<hbm>>) dst(%arg14 : memref<128xi32, #tpu.memory_space<vmem>>)
        %dma_start3A_198 = arith.constant 0 : i32
        %dma_start3A_199 = arith.constant 0 : i32
        %dma_start3A_200 = tpu.memref_slice %arg2[%dma_start3A_198, %dma_start3A_199] : memref<10000x128xf32, #tpu.memory_space<hbm>> -> memref<10000x128xf32, #tpu.memory_space<hbm>>
        tpu.enqueue_indirect_dma source(%dma_start3A_200 : memref<10000x128xf32, #tpu.memory_space<hbm>>) target(%arg17 : memref<128x128xf32, #tpu.memory_space<vmem>>) offsets(%arg10 : memref<128xi32, #tpu.memory_space<vmem>>) semaphore(%arg19 : memref<!tpu.dma_semaphore, #tpu.memory_space<semaphore_mem>>)
      } else {
      }
      %add3A_184 = arith.constant 2 : i32
      %add3A_185 = arith.addi %add3A_153, %add3A_184 : i32
      %lt3A_186 = arith.cmpi slt, %add3A_185, %select_n3A_12 : i32
      %convert_element_type3A_187 = arith.extui %lt3A_186 : i1 to i32
      %cond3A_188 = arith.constant 0 : i32
      %cond3A_189 = arith.cmpi ne, %convert_element_type3A_187, %cond3A_188 : i32
      scf.if %cond3A_189 {
        %add3A_190 = arith.constant 2 : i32
        %add3A_191 = arith.addi %add3A_153, %add3A_190 : i32
        %mul3A_192 = arith.constant 2 : i32
        %mul3A_193 = arith.muli %mul3A_192, %add3A_191 : i32
        %add3A_194 = arith.addi %select_n3A, %mul3A_193 : i32
        %add3A_195 = arith.constant 1 : i32
        %add3A_196 = arith.addi %add3A_194, %add3A_195 : i32
        %mul3A_197 = arith.constant 128 : i32
        %mul3A_198 = arith.muli %add3A_196, %mul3A_197 : i32
        %dma_start3A_199 = tpu.memref_slice %arg3[%mul3A_198] : memref<320000xi32, #tpu.memory_space<hbm>> -> memref<128xi32, #tpu.memory_space<hbm>>
        %dma_start3A_200 = tpu.memref_slice %arg3[%mul3A_198] : memref<320000xi32, #tpu.memory_space<hbm>> -> memref<128xi32, #tpu.memory_space<hbm>>
        tpu.enqueue_dma source(%dma_start3A_200 : memref<128xi32, #tpu.memory_space<hbm>>) target(%arg11 : memref<128xi32, #tpu.memory_space<vmem>>) target_semaphore(%arg21 : memref<!tpu.dma_semaphore, #tpu.memory_space<semaphore_mem>>)
        %add3A_201 = arith.constant 2 : i32
        %add3A_202 = arith.addi %add3A_153, %add3A_201 : i32
        %mul3A_203 = arith.constant 2 : i32
        %mul3A_204 = arith.muli %mul3A_203, %add3A_202 : i32
        %add3A_205 = arith.addi %select_n3A, %mul3A_204 : i32
        %add3A_206 = arith.constant 1 : i32
        %add3A_207 = arith.addi %add3A_205, %add3A_206 : i32
        %mul3A_208 = arith.constant 128 : i32
        %mul3A_209 = arith.muli %add3A_207, %mul3A_208 : i32
        %dma_start3A_210 = tpu.memref_slice %arg4[%mul3A_209] : memref<320000xi32, #tpu.memory_space<hbm>> -> memref<128xi32, #tpu.memory_space<hbm>>
        %dma_start3A_211 = tpu.memref_slice %arg4[%mul3A_209] : memref<320000xi32, #tpu.memory_space<hbm>> -> memref<128xi32, #tpu.memory_space<hbm>>
        tpu.enqueue_dma source(%dma_start3A_211 : memref<128xi32, #tpu.memory_space<hbm>>) target(%arg15 : memref<128xi32, #tpu.memory_space<vmem>>) target_semaphore(%arg21 : memref<!tpu.dma_semaphore, #tpu.memory_space<semaphore_mem>>)
      } else {
      }
    }
    "tpu.trace_stop"() : () -> ()
    "tpu.trace_start"() <{level = 10 : i32, message = "sc_barrier2"}> : () -> ()
    %barrier3A_102 = arith.constant 0 : index
    tpu.barrier barrier_id(%barrier3A_102)
    %eq3A = arith.constant 0 : i32
    "tpu.trace_stop"() : () -> ()
    %eq3A_103 = arith.cmpi eq, %arg0, %eq3A : i32
    %convert_element_type3A = arith.extui %eq3A_103 : i1 to i32
    %cond3A = arith.constant 0 : i32
    %cond3A_104 = arith.cmpi ne, %convert_element_type3A, %cond3A : i32
    scf.if %cond3A_104 {
      "tpu.region"() ({
        %run_scoped3A = tpu.sem_alloc : memref<!tpu.dma_semaphore, #tpu.memory_space<semaphore_mem>>
        %dma_start3A_110 = arith.constant 0 : i32
        %dma_start3A_111 = tpu.memref_slice %arg6[%mul3A_2, %dma_start3A_110] : memref<10240x128xf32, #tpu.memory_space<hbm>> -> memref<640x128xf32, #tpu.memory_space<hbm>>
        %dma_start3A_112 = arith.constant 0 : i32
        %dma_start3A_113 = tpu.memref_slice %arg22[%mul3A_2, %dma_start3A_112] : memref<10240x128xf32, #tpu.memory_space<vmem_shared>> -> memref<640x128xf32, #tpu.memory_space<vmem_shared>>
        tpu.enqueue_dma source(%dma_start3A_113 : memref<640x128xf32, #tpu.memory_space<vmem_shared>>) target(%dma_start3A_111 : memref<640x128xf32, #tpu.memory_space<hbm>>) target_semaphore(%run_scoped3A : memref<!tpu.dma_semaphore, #tpu.memory_space<semaphore_mem>>)
        %dma_wait3A = arith.constant 0 : i32
        %dma_wait3A_114 = tpu.memref_slice %arg6[%mul3A_2, %dma_wait3A] : memref<10240x128xf32, #tpu.memory_space<hbm>> -> memref<640x128xf32, #tpu.memory_space<hbm>>
        %dma_wait3A_115 = arith.constant 0 : i32
        %dma_wait3A_116 = tpu.memref_slice %arg22[%mul3A_2, %dma_wait3A_115] : memref<10240x128xf32, #tpu.memory_space<vmem_shared>> -> memref<640x128xf32, #tpu.memory_space<vmem_shared>>
        tpu.wait_dma2 semaphore(%run_scoped3A : memref<!tpu.dma_semaphore, #tpu.memory_space<semaphore_mem>>) src(%dma_wait3A_116 : memref<640x128xf32, #tpu.memory_space<vmem_shared>>) dst(%dma_wait3A_114 : memref<640x128xf32, #tpu.memory_space<hbm>>)
        tpu.yield
      }) : () -> ()
    } else {
    }
    %eq3A_105 = arith.constant 1 : i32
    %eq3A_106 = arith.cmpi eq, %arg0, %eq3A_105 : i32
    %convert_element_type3A_107 = arith.extui %eq3A_106 : i1 to i32
    %cond3A_108 = arith.constant 0 : i32
    %cond3A_109 = arith.cmpi ne, %convert_element_type3A_107, %cond3A_108 : i32
    scf.if %cond3A_109 {
      "tpu.region"() ({
        %run_scoped3A = tpu.sem_alloc : memref<!tpu.dma_semaphore, #tpu.memory_space<semaphore_mem>>
        %dma_start3A_110 = arith.constant 0 : i32
        %dma_start3A_111 = tpu.memref_slice %arg7[%mul3A_2, %dma_start3A_110] : memref<10240x128xf32, #tpu.memory_space<hbm>> -> memref<640x128xf32, #tpu.memory_space<hbm>>
        %dma_start3A_112 = arith.constant 0 : i32
        %dma_start3A_113 = tpu.memref_slice %arg22[%mul3A_2, %dma_start3A_112] : memref<10240x128xf32, #tpu.memory_space<vmem_shared>> -> memref<640x128xf32, #tpu.memory_space<vmem_shared>>
        tpu.enqueue_dma source(%dma_start3A_113 : memref<640x128xf32, #tpu.memory_space<vmem_shared>>) target(%dma_start3A_111 : memref<640x128xf32, #tpu.memory_space<hbm>>) target_semaphore(%run_scoped3A : memref<!tpu.dma_semaphore, #tpu.memory_space<semaphore_mem>>)
        %dma_wait3A = arith.constant 0 : i32
        %dma_wait3A_114 = tpu.memref_slice %arg7[%mul3A_2, %dma_wait3A] : memref<10240x128xf32, #tpu.memory_space<hbm>> -> memref<640x128xf32, #tpu.memory_space<hbm>>
        %dma_wait3A_115 = arith.constant 0 : i32
        %dma_wait3A_116 = tpu.memref_slice %arg22[%mul3A_2, %dma_wait3A_115] : memref<10240x128xf32, #tpu.memory_space<vmem_shared>> -> memref<640x128xf32, #tpu.memory_space<vmem_shared>>
        tpu.wait_dma2 semaphore(%run_scoped3A : memref<!tpu.dma_semaphore, #tpu.memory_space<semaphore_mem>>) src(%dma_wait3A_116 : memref<640x128xf32, #tpu.memory_space<vmem_shared>>) dst(%dma_wait3A_114 : memref<640x128xf32, #tpu.memory_space<hbm>>)
        tpu.yield
      }) : () -> ()
    } else {
    }
    return
  }
}

module attributes {stable_mosaic.version = 14 : i64} {
  func.func @_stage1_body(%arg0: i32, %arg1: memref<1000x128xf32, #tpu.memory_space<vmem>>, %arg2: memref<1000x128xf32, #tpu.memory_space<vmem>>, %arg3: memref<128x256xf32, #tpu.memory_space<vmem>>, %arg4: memref<1x128xf32, #tpu.memory_space<vmem>>, %arg5: memref<128x128xf32, #tpu.memory_space<vmem>>, %arg6: memref<1000x128xf32, #tpu.memory_space<vmem>>, %arg7: memref<1000x128xf32, #tpu.memory_space<vmem>>) attributes {dimension_semantics = [#tpu.dimension_semantics<arbitrary>], iteration_bounds = array<i64: 10>, scalar_prefetch = 0 : i64, scratch_operands = 0 : i64, tpu.core_type = #tpu.core_type<tc>, window_params = [{transform_indices = @transform_0, window_bounds = array<i64: 1000, 128>}, {transform_indices = @transform_1, window_bounds = array<i64: 1000, 128>}, {pipeline_mode = #tpu.pipeline_mode<synchronous>, transform_indices = @transform_2, window_bounds = array<i64: 128, 256>}, {pipeline_mode = #tpu.pipeline_mode<synchronous>, transform_indices = @transform_3, window_bounds = array<i64: 1, 128>}, {pipeline_mode = #tpu.pipeline_mode<synchronous>, transform_indices = @transform_4, window_bounds = array<i64: 128, 128>}, {transform_indices = @transform_5, window_bounds = array<i64: 1000, 128>}, {transform_indices = @transform_6, window_bounds = array<i64: 1000, 128>}]} {
    %get3A = arith.constant 0 : index
    %get3A_0 = arith.constant 0 : index
    %get3A_1 = vector.load %arg1[%get3A, %get3A_0] : memref<1000x128xf32, #tpu.memory_space<vmem>>, vector<1000x128xf32>
    %get3A_2 = arith.constant 0 : index
    %get3A_3 = arith.constant 0 : index
    %get3A_4 = vector.load %arg3[%get3A_2, %get3A_3] : memref<128x256xf32, #tpu.memory_space<vmem>>, vector<128x128xf32>
    %convert_element_type3A = arith.truncf %get3A_1 : vector<1000x128xf32> to vector<1000x128xbf16>
    %convert_element_type3A_5 = arith.truncf %get3A_4 : vector<128x128xf32> to vector<128x128xbf16>
    %dot_general3A = arith.constant dense<0.000000e+00> : vector<1000x128xf32>
    %dot_general3A_6 = tpu.matmul %convert_element_type3A, %convert_element_type3A_5, %dot_general3A {dimension_numbers = #tpu.dot_dimension_numbers<[1], [1], [0], [0], [0, 0, 1, 0], [], []>, transpose_lhs_hint = false} : vector<1000x128xbf16>, vector<128x128xbf16>, vector<1000x128xf32> -> vector<1000x128xf32>
    %get3A_7 = arith.constant 0 : index
    %get3A_8 = arith.constant 0 : index
    %get3A_9 = vector.load %arg2[%get3A_7, %get3A_8] : memref<1000x128xf32, #tpu.memory_space<vmem>>, vector<1000x128xf32>
    %get3A_10 = arith.constant 0 : index
    %get3A_11 = arith.constant 128 : index
    %get3A_12 = vector.load %arg3[%get3A_10, %get3A_11] : memref<128x256xf32, #tpu.memory_space<vmem>>, vector<128x128xf32>
    %convert_element_type3A_13 = arith.truncf %get3A_9 : vector<1000x128xf32> to vector<1000x128xbf16>
    %convert_element_type3A_14 = arith.truncf %get3A_12 : vector<128x128xf32> to vector<128x128xbf16>
    %dot_general3A_15 = arith.constant dense<0.000000e+00> : vector<1000x128xf32>
    %dot_general3A_16 = tpu.matmul %convert_element_type3A_13, %convert_element_type3A_14, %dot_general3A_15 {dimension_numbers = #tpu.dot_dimension_numbers<[1], [1], [0], [0], [0, 0, 1, 0], [], []>, transpose_lhs_hint = false} : vector<1000x128xbf16>, vector<128x128xbf16>, vector<1000x128xf32> -> vector<1000x128xf32>
    %add3A = arith.addf %dot_general3A_6, %dot_general3A_16 : vector<1000x128xf32>
    %get3A_17 = arith.constant 0 : index
    %get3A_18 = arith.constant 0 : index
    %get3A_19 = vector.load %arg4[%get3A_17, %get3A_18] : memref<1x128xf32, #tpu.memory_space<vmem>>, vector<1x128xf32>
    %add3A_20 = vector.broadcast %get3A_19 : vector<1x128xf32> to vector<1000x128xf32>
    %add3A_21 = arith.addf %add3A, %add3A_20 : vector<1000x128xf32>
    %max3A = arith.constant 0.000000e+00 : f32
    %max3A_22 = vector.broadcast %max3A : f32 to vector<1000x128xf32>
    %max3A_23 = arith.maximumf %add3A_21, %max3A_22 : vector<1000x128xf32>
    %swap3A = arith.constant 0 : index
    %swap3A_24 = arith.constant 0 : index
    %swap3A_25 = vector.load %arg6[%swap3A, %swap3A_24] : memref<1000x128xf32, #tpu.memory_space<vmem>>, vector<1000x128xf32>
    tpu.vector_store %arg6[%swap3A, %swap3A_24], %max3A_23 {strides = array<i32>} : memref<1000x128xf32, #tpu.memory_space<vmem>>, vector<1000x128xf32>,
    %convert_element_type3A_26 = arith.truncf %max3A_23 : vector<1000x128xf32> to vector<1000x128xbf16>
    %get3A_27 = arith.constant 0 : index
    %get3A_28 = arith.constant 0 : index
    %get3A_29 = vector.load %arg5[%get3A_27, %get3A_28] : memref<128x128xf32, #tpu.memory_space<vmem>>, vector<128x128xf32>
    %convert_element_type3A_30 = arith.truncf %get3A_29 : vector<128x128xf32> to vector<128x128xbf16>
    %dot_general3A_31 = arith.constant dense<0.000000e+00> : vector<1000x128xf32>
    %dot_general3A_32 = tpu.matmul %convert_element_type3A_26, %convert_element_type3A_30, %dot_general3A_31 {dimension_numbers = #tpu.dot_dimension_numbers<[1], [0], [0], [1], [0, 0, 1, 1], [], []>, transpose_lhs_hint = false} : vector<1000x128xbf16>, vector<128x128xbf16>, vector<1000x128xf32> -> vector<1000x128xf32>
    %swap3A_33 = arith.constant 0 : index
    %swap3A_34 = arith.constant 0 : index
    %swap3A_35 = vector.load %arg7[%swap3A_33, %swap3A_34] : memref<1000x128xf32, #tpu.memory_space<vmem>>, vector<1000x128xf32>
    tpu.vector_store %arg7[%swap3A_33, %swap3A_34], %dot_general3A_32 {strides = array<i32>} : memref<1000x128xf32, #tpu.memory_space<vmem>>, vector<1000x128xf32>,
    return
  }
  func.func @transform_0(%arg0: i32) -> (i32, i32) {
    %c0_i32 = arith.constant 0 : i32
    %c0_i32_0 = arith.constant 0 : i32
    return %arg0, %c0_i32 : i32, i32
  }
  func.func @transform_1(%arg0: i32) -> (i32, i32) {
    %c0_i32 = arith.constant 0 : i32
    %c0_i32_0 = arith.constant 0 : i32
    return %arg0, %c0_i32 : i32, i32
  }
  func.func @transform_2(%arg0: i32) -> (i32, i32) {
    %c0_i32 = arith.constant 0 : i32
    %c0_i32_0 = arith.constant 0 : i32
    %c0_i32_1 = arith.constant 0 : i32
    return %c0_i32, %c0_i32_0 : i32, i32
  }
  func.func @transform_3(%arg0: i32) -> (i32, i32) {
    %c0_i32 = arith.constant 0 : i32
    %c0_i32_0 = arith.constant 0 : i32
    %c0_i32_1 = arith.constant 0 : i32
    return %c0_i32, %c0_i32_0 : i32, i32
  }
  func.func @transform_4(%arg0: i32) -> (i32, i32) {
    %c0_i32 = arith.constant 0 : i32
    %c0_i32_0 = arith.constant 0 : i32
    %c0_i32_1 = arith.constant 0 : i32
    return %c0_i32, %c0_i32_0 : i32, i32
  }
  func.func @transform_5(%arg0: i32) -> (i32, i32) {
    %c0_i32 = arith.constant 0 : i32
    %c0_i32_0 = arith.constant 0 : i32
    return %arg0, %c0_i32 : i32, i32
  }
  func.func @transform_6(%arg0: i32) -> (i32, i32) {
    %c0_i32 = arith.constant 0 : i32
    %c0_i32_0 = arith.constant 0 : i32
    return %arg0, %c0_i32 : i32, i32
  }
}

module attributes {stable_mosaic.version = 14 : i64} {
  func.func @_gh_body(%arg0: i32, %arg1: memref<1000x128xf32, #tpu.memory_space<vmem>>, %arg2: memref<384x128xf32, #tpu.memory_space<vmem>>, %arg3: memref<1x384xf32, #tpu.memory_space<vmem>>, %arg4: memref<1000x384xbf16, #tpu.memory_space<vmem>>) attributes {dimension_semantics = [#tpu.dimension_semantics<arbitrary>], iteration_bounds = array<i64: 10>, scalar_prefetch = 0 : i64, scratch_operands = 0 : i64, tpu.core_type = #tpu.core_type<tc>, window_params = [{transform_indices = @transform_0, window_bounds = array<i64: 1000, 128>}, {pipeline_mode = #tpu.pipeline_mode<synchronous>, transform_indices = @transform_1, window_bounds = array<i64: 384, 128>}, {pipeline_mode = #tpu.pipeline_mode<synchronous>, transform_indices = @transform_2, window_bounds = array<i64: 1, 384>}, {transform_indices = @transform_3, window_bounds = array<i64: 1000, 384>}]} {
    %get3A = arith.constant 0 : index
    %get3A_0 = arith.constant 0 : index
    %get3A_1 = vector.load %arg1[%get3A, %get3A_0] : memref<1000x128xf32, #tpu.memory_space<vmem>>, vector<1000x128xf32>
    %get3A_2 = arith.constant 0 : index
    %get3A_3 = arith.constant 0 : index
    %get3A_4 = vector.load %arg2[%get3A_2, %get3A_3] : memref<384x128xf32, #tpu.memory_space<vmem>>, vector<384x128xf32>
    %convert_element_type3A = arith.truncf %get3A_1 : vector<1000x128xf32> to vector<1000x128xbf16>
    %convert_element_type3A_5 = arith.truncf %get3A_4 : vector<384x128xf32> to vector<384x128xbf16>
    %dot_general3A = arith.constant dense<0.000000e+00> : vector<1000x384xf32>
    %dot_general3A_6 = tpu.matmul %convert_element_type3A, %convert_element_type3A_5, %dot_general3A {dimension_numbers = #tpu.dot_dimension_numbers<[1], [1], [0], [0], [0, 0, 1, 0], [], []>, transpose_lhs_hint = false} : vector<1000x128xbf16>, vector<384x128xbf16>, vector<1000x384xf32> -> vector<1000x384xf32>
    %get3A_7 = arith.constant 0 : index
    %get3A_8 = arith.constant 0 : index
    %get3A_9 = vector.load %arg3[%get3A_7, %get3A_8] : memref<1x384xf32, #tpu.memory_space<vmem>>, vector<1x384xf32>
    %add3A = vector.broadcast %get3A_9 : vector<1x384xf32> to vector<1000x384xf32>
    %add3A_10 = arith.addf %dot_general3A_6, %add3A : vector<1000x384xf32>
    %convert_element_type3A_11 = arith.truncf %add3A_10 : vector<1000x384xf32> to vector<1000x384xbf16>
    %swap3A = arith.constant 0 : index
    %swap3A_12 = arith.constant 0 : index
    %swap3A_13 = vector.load %arg4[%swap3A, %swap3A_12] : memref<1000x384xbf16, #tpu.memory_space<vmem>>, vector<1000x384xbf16>
    tpu.vector_store %arg4[%swap3A, %swap3A_12], %convert_element_type3A_11 {strides = array<i32>} : memref<1000x384xbf16, #tpu.memory_space<vmem>>, vector<1000x384xbf16>,
    return
  }
  func.func @transform_0(%arg0: i32) -> (i32, i32) {
    %c0_i32 = arith.constant 0 : i32
    %c0_i32_0 = arith.constant 0 : i32
    return %arg0, %c0_i32 : i32, i32
  }
  func.func @transform_1(%arg0: i32) -> (i32, i32) {
    %c0_i32 = arith.constant 0 : i32
    %c0_i32_0 = arith.constant 0 : i32
    %c0_i32_1 = arith.constant 0 : i32
    return %c0_i32, %c0_i32_0 : i32, i32
  }
  func.func @transform_2(%arg0: i32) -> (i32, i32) {
    %c0_i32 = arith.constant 0 : i32
    %c0_i32_0 = arith.constant 0 : i32
    %c0_i32_1 = arith.constant 0 : i32
    return %c0_i32, %c0_i32_0 : i32, i32
  }
  func.func @transform_3(%arg0: i32) -> (i32, i32) {
    %c0_i32 = arith.constant 0 : i32
    %c0_i32_0 = arith.constant 0 : i32
    return %arg0, %c0_i32 : i32, i32
  }
}

module attributes {stable_mosaic.version = 14 : i64} {
  func.func @_stage2_body(%arg0: i32, %arg1: memref<1000x128xf32, #tpu.memory_space<vmem>>, %arg2: memref<1000x128xf32, #tpu.memory_space<vmem>>, %arg3: memref<1000x128xf32, #tpu.memory_space<vmem>>, %arg4: memref<1000x384xbf16, #tpu.memory_space<vmem>>, %arg5: memref<384x128xf32, #tpu.memory_space<vmem>>, %arg6: memref<1x384xf32, #tpu.memory_space<vmem>>, %arg7: memref<1000x128xf32, #tpu.memory_space<vmem>>) attributes {dimension_semantics = [#tpu.dimension_semantics<arbitrary>], iteration_bounds = array<i64: 10>, scalar_prefetch = 0 : i64, scratch_operands = 0 : i64, tpu.core_type = #tpu.core_type<tc>, window_params = [{transform_indices = @transform_0, window_bounds = array<i64: 1000, 128>}, {transform_indices = @transform_1, window_bounds = array<i64: 1000, 128>}, {transform_indices = @transform_2, window_bounds = array<i64: 1000, 128>}, {transform_indices = @transform_3, window_bounds = array<i64: 1000, 384>}, {pipeline_mode = #tpu.pipeline_mode<synchronous>, transform_indices = @transform_4, window_bounds = array<i64: 384, 128>}, {pipeline_mode = #tpu.pipeline_mode<synchronous>, transform_indices = @transform_5, window_bounds = array<i64: 1, 384>}, {transform_indices = @transform_6, window_bounds = array<i64: 1000, 128>}]} {
    %get3A = arith.constant 0 : index
    %get3A_0 = arith.constant 0 : index
    %get3A_1 = vector.load %arg1[%get3A, %get3A_0] : memref<1000x128xf32, #tpu.memory_space<vmem>>, vector<1000x128xf32>
    %get3A_2 = arith.constant 0 : index
    %get3A_3 = arith.constant 0 : index
    %get3A_4 = vector.load %arg2[%get3A_2, %get3A_3] : memref<1000x128xf32, #tpu.memory_space<vmem>>, vector<1000x128xf32>
    %add3A = arith.addf %get3A_1, %get3A_4 : vector<1000x128xf32>
    %get3A_5 = arith.constant 0 : index
    %get3A_6 = arith.constant 0 : index
    %get3A_7 = vector.load %arg5[%get3A_5, %get3A_6] : memref<384x128xf32, #tpu.memory_space<vmem>>, vector<384x128xf32>
    %convert_element_type3A = arith.truncf %add3A : vector<1000x128xf32> to vector<1000x128xbf16>
    %convert_element_type3A_8 = arith.truncf %get3A_7 : vector<384x128xf32> to vector<384x128xbf16>
    %dot_general3A = arith.constant dense<0.000000e+00> : vector<1000x384xf32>
    %dot_general3A_9 = tpu.matmul %convert_element_type3A, %convert_element_type3A_8, %dot_general3A {dimension_numbers = #tpu.dot_dimension_numbers<[1], [1], [0], [0], [0, 0, 1, 0], [], []>, transpose_lhs_hint = false} : vector<1000x128xbf16>, vector<384x128xbf16>, vector<1000x384xf32> -> vector<1000x384xf32>
    %get3A_10 = arith.constant 0 : index
    %get3A_11 = arith.constant 0 : index
    %get3A_12 = vector.load %arg6[%get3A_10, %get3A_11] : memref<1x384xf32, #tpu.memory_space<vmem>>, vector<1x384xf32>
    %add3A_13 = vector.broadcast %get3A_12 : vector<1x384xf32> to vector<1000x384xf32>
    %add3A_14 = arith.addf %dot_general3A_9, %add3A_13 : vector<1000x384xf32>
    %get3A_15 = arith.constant 0 : index
    %get3A_16 = arith.constant 0 : index
    %get3A_17 = vector.load %arg4[%get3A_15, %get3A_16] : memref<1000x384xbf16, #tpu.memory_space<vmem>>, vector<1000x384xbf16>
    %convert_element_type3A_18 = arith.extf %get3A_17 : vector<1000x384xbf16> to vector<1000x384xf32>
    %slice3A = vector.extract_strided_slice %add3A_14 {offsets = [0, 0], sizes = [1000, 128], strides = [1, 1]} : vector<1000x384xf32> to vector<1000x128xf32>
    %slice3A_19 = vector.extract_strided_slice %convert_element_type3A_18 {offsets = [0, 0], sizes = [1000, 128], strides = [1, 1]} : vector<1000x384xf32> to vector<1000x128xf32>
    %add3A_20 = arith.addf %slice3A, %slice3A_19 : vector<1000x128xf32>
    %logistic3A = arith.negf %add3A_20 : vector<1000x128xf32>
    %logistic3A_21 = math.exp %logistic3A : vector<1000x128xf32>
    %logistic3A_22 = arith.constant 1.000000e+00 : f32
    %logistic3A_23 = vector.broadcast %logistic3A_22 : f32 to vector<1000x128xf32>
    %logistic3A_24 = arith.addf %logistic3A_23, %logistic3A_21 : vector<1000x128xf32>
    %logistic3A_25 = arith.divf %logistic3A_23, %logistic3A_24 : vector<1000x128xf32>
    %slice3A_26 = vector.extract_strided_slice %add3A_14 {offsets = [0, 128], sizes = [1000, 128], strides = [1, 1]} : vector<1000x384xf32> to vector<1000x128xf32>
    %slice3A_27 = vector.extract_strided_slice %convert_element_type3A_18 {offsets = [0, 128], sizes = [1000, 128], strides = [1, 1]} : vector<1000x384xf32> to vector<1000x128xf32>
    %add3A_28 = arith.addf %slice3A_26, %slice3A_27 : vector<1000x128xf32>
    %logistic3A_29 = arith.negf %add3A_28 : vector<1000x128xf32>
    %logistic3A_30 = math.exp %logistic3A_29 : vector<1000x128xf32>
    %logistic3A_31 = arith.constant 1.000000e+00 : f32
    %logistic3A_32 = vector.broadcast %logistic3A_31 : f32 to vector<1000x128xf32>
    %logistic3A_33 = arith.addf %logistic3A_32, %logistic3A_30 : vector<1000x128xf32>
    %logistic3A_34 = arith.divf %logistic3A_32, %logistic3A_33 : vector<1000x128xf32>
    %slice3A_35 = vector.extract_strided_slice %add3A_14 {offsets = [0, 256], sizes = [1000, 128], strides = [1, 1]} : vector<1000x384xf32> to vector<1000x128xf32>
    %slice3A_36 = vector.extract_strided_slice %convert_element_type3A_18 {offsets = [0, 256], sizes = [1000, 128], strides = [1, 1]} : vector<1000x384xf32> to vector<1000x128xf32>
    %mul3A = arith.mulf %logistic3A_25, %slice3A_36 : vector<1000x128xf32>
    %add3A_37 = arith.addf %slice3A_35, %mul3A : vector<1000x128xf32>
    %tanh3A = math.tanh %add3A_37 : vector<1000x128xf32>
    %sub3A = arith.constant 1.000000e+00 : f32
    %sub3A_38 = vector.broadcast %sub3A : f32 to vector<1000x128xf32>
    %sub3A_39 = arith.subf %sub3A_38, %logistic3A_34 : vector<1000x128xf32>
    %mul3A_40 = arith.mulf %sub3A_39, %tanh3A : vector<1000x128xf32>
    %get3A_41 = arith.constant 0 : index
    %get3A_42 = arith.constant 0 : index
    %get3A_43 = vector.load %arg3[%get3A_41, %get3A_42] : memref<1000x128xf32, #tpu.memory_space<vmem>>, vector<1000x128xf32>
    %mul3A_44 = arith.mulf %logistic3A_34, %get3A_43 : vector<1000x128xf32>
    %add3A_45 = arith.addf %mul3A_40, %mul3A_44 : vector<1000x128xf32>
    %swap3A = arith.constant 0 : index
    %swap3A_46 = arith.constant 0 : index
    %swap3A_47 = vector.load %arg7[%swap3A, %swap3A_46] : memref<1000x128xf32, #tpu.memory_space<vmem>>, vector<1000x128xf32>
    tpu.vector_store %arg7[%swap3A, %swap3A_46], %add3A_45 {strides = array<i32>} : memref<1000x128xf32, #tpu.memory_space<vmem>>, vector<1000x128xf32>,
    return
  }
  func.func @transform_0(%arg0: i32) -> (i32, i32) {
    %c0_i32 = arith.constant 0 : i32
    %c0_i32_0 = arith.constant 0 : i32
    return %arg0, %c0_i32 : i32, i32
  }
  func.func @transform_1(%arg0: i32) -> (i32, i32) {
    %c0_i32 = arith.constant 0 : i32
    %c0_i32_0 = arith.constant 0 : i32
    return %arg0, %c0_i32 : i32, i32
  }
  func.func @transform_2(%arg0: i32) -> (i32, i32) {
    %c0_i32 = arith.constant 0 : i32
    %c0_i32_0 = arith.constant 0 : i32
    return %arg0, %c0_i32 : i32, i32
  }
  func.func @transform_3(%arg0: i32) -> (i32, i32) {
    %c0_i32 = arith.constant 0 : i32
    %c0_i32_0 = arith.constant 0 : i32
    return %arg0, %c0_i32 : i32, i32
  }
  func.func @transform_4(%arg0: i32) -> (i32, i32) {
    %c0_i32 = arith.constant 0 : i32
    %c0_i32_0 = arith.constant 0 : i32
    %c0_i32_1 = arith.constant 0 : i32
    return %c0_i32, %c0_i32_0 : i32, i32
  }
  func.func @transform_5(%arg0: i32) -> (i32, i32) {
    %c0_i32 = arith.constant 0 : i32
    %c0_i32_0 = arith.constant 0 : i32
    %c0_i32_1 = arith.constant 0 : i32
    return %c0_i32, %c0_i32_0 : i32, i32
  }
  func.func @transform_6(%arg0: i32) -> (i32, i32) {
    %c0_i32 = arith.constant 0 : i32
    %c0_i32_0 = arith.constant 0 : i32
    return %arg0, %c0_i32 : i32, i32
  }
}

</mosaic_0001>

<sc_bundles>
// kernel: kernel.6.cloned.1.call-start
scs
__scs_entry_jumppad:
0x0: {  	(pc) =	sbr.rel $0x88, $3  }
0x1: {  	(tag) =	ssettag $0x0;
	lr =	simm.s32 $0x1  }
0x2: {  	[smem:$0x3F97] =	sst lr;
	_ =	strace $0xD0000000  }
0x3: {  	_ = 	snop  }
0x4: {  	_ = 	snop  }
0x5: {  	_ = 	snop  }
0x6: {  	_ = 	snop  }
0x7: {  	_ = 	snop  }
__scs_overlays_trampoline_lowered:
0x8: {  	[smem:$0x3FA6] =	sst s0  }
0x9: {  	[smem:$0x3FA7] =	sst s1  }
0xa: {  	[smem:$0x3FA8] =	sst s2  }
0xb: {  	[smem:$0x3FA9] =	sst s3  }
0xc: {  	[smem:$0x3FAA] =	sst s4  }
0xd: {  	[smem:$0x3FAB] =	sst s5  }
0xe: {  	[smem:$0x3FAC] =	sst s6  }
0xf: {  	[smem:$0x3FAD] =	sst s7  }
0x10: {  	[smem:$0x3FAE] =	sst s8  }
0x11: {  	[smem:$0x3FAF] =	sst s9;
	s0 =	simm.s32 @!p0 $0x0  }
0x12: {  	s1 =	sld [smem:$0x3F95];
	s0 =	simm.s32 @p0 $0x1  }
0x13: {  	[smem:$0x3FB0] =	sst s0;
	s0 =	simm.s32 @!p1 $0x0  }
0x14: {  	s2 =	sld [smem:$0x3F94];
	s0 =	simm.s32 @p1 $0x1  }
0x15: {  	[smem:$0x3FB1] =	sst s0;
	s0 =	simm.s32 @!p2 $0x0  }
0x16: {  	s3 =	sld [smem:$0x3FDB];
	s0 =	simm.s32 @p2 $0x1  }
0x17: {  	s4 =	simm.s32 $0x1BF5;
	[smem:$0x3FB3] =	sst s0  }
0x18: {  	s0 =	sld [smem:$0x3F96];
	_ =	swait.ge [sflag:s4], $0x0  }
0x19: {  	s7 =	sld [smem:$0x3F97]  }
0x1a: {  	s8 =	sadd.s32 $0xFFFFE003, lr  }
0x1b: {  	s9 =	sadd.s32 $0xFFFFFEF7, lr;
	s5 =	simm.s32 $0xFFFFFFFF;
	p2 =	slt.u32 s8, $0xFFFFF086  }
0x1c: {  	p1 =	slt.u32 s9, $0xF7A;
	s5 =	simm.s32 @!p2 $0x0  }
0x1d: {  	s5 =	simm.s32 @p1 $0x1;
	p0 =	seq.s32 s7, s2  }
0x1e: {  	s7 =	smul.u32 @!p0 $0xF7A, s2;
	p2 =	seq.s32 @!p0 s5, $0x0  }
0x1f: {  	s9 =	smul.u32 $0xF7A, s1;
	s8 =	simm.s32 @!p0 $0x1BF5;
	p2 =	por !p2, p0  }
0x20: {  	[sflag:s8] =	ssyncset.s32 @!p0 $0xFFFFF086;
	s6 =	sadd.s32 @!p0 s3, s7;
	s7 =	simm.s32 @!p0 $0x108  }
0x21: {  	s3 =	sadd.s32 s3, s9;
	s6 =	sadd.s32 @!p0 $0x88, s6;
	s7 =	simm.s32 @p2 $0x1082  }
0x22: {  	[simem:s7], [sflag:s8] =	dma.local @!p0 [hbm:s6], $0xF7A  }
0x23: {  	s9 =	sor.u32 $0xD0000000, s2;
	s6 =	simm.s32 $0x108;
	_ =	swait.ge @!p0 [sflag:s8], $0x0  }
0x24: {  	s3 =	sadd.s32 $0x88, s3;
	s6 =	simm.s32 @!p1 $0x1082;
	[sflag:s4] =	ssyncset.s32 $0xFFFFF086  }
0x25: {  	[simem:s6], [sflag:s4] =	dma.local [hbm:s3], $0xF7A  }
0x26: {  	[smem:$0x3F97] =	sst s1;
	(tag) =	ssettag s2;
	_ =	strace s9  }
0x27: {  	s1 =	sld [smem:$0x3FA7]  }
0x28: {  	s2 =	sld [smem:$0x3FA8]  }
0x29: {  	s4 =	sld [smem:$0x3FAA]  }
0x2a: {  	p0 =	seq.s32 s5, $0x0;
	s5 =	sld [smem:$0x3FAB]  }
0x2b: {  	s6 =	sld [smem:$0x3FAC]  }
0x2c: {  	s7 =	sld [smem:$0x3FAD]  }
0x2d: {  	s3 =	simm.s32 $0x108;
	s8 =	sld [smem:$0x3FAE]  }
0x2e: {  	s3 =	simm.s32 @!p0 $0x1082;
	s9 =	sld [smem:$0x3FAF]  }
0x2f: {  	lr =	sadd.s32 s0, s3;
	s0 =	sld [smem:$0x3FA6]  }
0x30: {  	s3 =	sld [smem:$0x3FA9]  }
0x31: {  	[smem:$0x3FB2] =	sst s10  }
0x32: {  	s10 =	sld [smem:$0x3FB0];
	_ =	sdelay $0x3  }
0x33: {  	p0 =	seq.s32 s10, $0x1;
	s10 =	sld [smem:$0x3FB2];
	_ =	sdelay $0x3  }
0x34: {  	[smem:$0x3FB2] =	sst s10  }
0x35: {  	s10 =	sld [smem:$0x3FB1];
	_ =	sdelay $0x3  }
0x36: {  	p1 =	seq.s32 s10, $0x1;
	s10 =	sld [smem:$0x3FB2];
	_ =	sdelay $0x3  }
0x37: {  	[smem:$0x3FB2] =	sst s10  }
0x38: {  	s10 =	sld [smem:$0x3FB3]  }
0x39: {  	_ = 	snop;
	(pc) =	sbr.ind lr, $3  }
0x3a: {  	_ = 	snop  }
0x3b: {  	_ = 	snop  }
0x3c: {  	p2 =	seq.s32 s10, $0x1;
	s10 =	sld [smem:$0x3FB2]  }
0x3d: {  	_ =	shalt  }
0x3e: {  	_ =	shalt  }
0x3f: {  	_ =	shalt  }
0x40: {  	_ =	shalt  }
0x41: {  	_ =	shalt  }
0x42: {  	_ =	shalt  }
0x43: {  	_ =	shalt  }
0x44: {  	_ =	shalt  }
0x45: {  	_ =	shalt  }
0x46: {  	_ =	shalt  }
0x47: {  	_ =	shalt  }
0x48: {  	_ =	shalt  }
0x49: {  	_ =	shalt  }
0x4a: {  	_ =	shalt  }
0x4b: {  	_ =	shalt  }
0x4c: {  	_ =	shalt  }
0x4d: {  	_ =	shalt  }
0x4e: {  	_ =	shalt  }
0x4f: {  	_ =	shalt  }
0x50: {  	_ =	shalt  }
0x51: {  	_ =	shalt  }
0x52: {  	_ =	shalt  }
0x53: {  	_ =	shalt  }
0x54: {  	_ =	shalt  }
0x55: {  	_ =	shalt  }
0x56: {  	_ =	shalt  }
0x57: {  	_ =	shalt  }
0x58: {  	_ =	shalt  }
0x59: {  	_ =	shalt  }
0x5a: {  	_ =	shalt  }
0x5b: {  	_ =	shalt  }
0x5c: {  	_ =	shalt  }
0x5d: {  	_ =	shalt  }
0x5e: {  	_ =	shalt  }
0x5f: {  	_ =	shalt  }
0x60: {  	_ =	shalt  }
0x61: {  	_ =	shalt  }
0x62: {  	_ =	shalt  }
0x63: {  	_ =	shalt  }
0x64: {  	_ =	shalt  }
0x65: {  	_ =	shalt  }
0x66: {  	_ =	shalt  }
0x67: {  	_ =	shalt  }
0x68: {  	_ =	shalt  }
0x69: {  	_ =	shalt  }
0x6a: {  	_ =	shalt  }
0x6b: {  	_ =	shalt  }
0x6c: {  	_ =	shalt  }
0x6d: {  	_ =	shalt  }
0x6e: {  	_ =	shalt  }
0x6f: {  	_ =	shalt  }
0x70: {  	_ =	shalt  }
0x71: {  	_ =	shalt  }
0x72: {  	_ =	shalt  }
0x73: {  	_ =	shalt  }
0x74: {  	_ =	shalt  }
0x75: {  	_ =	shalt  }
0x76: {  	_ =	shalt  }
0x77: {  	_ =	shalt  }
0x78: {  	_ =	shalt  }
0x79: {  	_ =	shalt  }
0x7a: {  	_ =	shalt  }
0x7b: {  	_ =	shalt  }
0x7c: {  	_ =	shalt  }
0x7d: {  	_ =	shalt  }
0x7e: {  	_ =	shalt  }
0x7f: {  	_ =	shalt  }
0x80: {  	_ =	shalt  }
0x81: {  	_ =	shalt  }
0x82: {  	_ =	shalt  }
0x83: {  	_ =	shalt  }
0x84: {  	_ =	shalt  }
0x85: {  	_ =	shalt  }
0x86: {  	_ =	shalt  }
0x87: {  	_ =	shalt  }
.Lfunc_end0:
.L_simem_size_0:
called_computation_lowered:
.L_overlay_start_0:
0x88: {  	s2 =	sld [smem:$0x3FD9]  }
0x89: {  	s3 =	sld [smem:$0x3FFE];
	_ =	sdelay $0x1  }
0x8a: {  	s1 =	srdreg.scid  }
0x8b: {  	s0 =	sand.u32 $0x1, s1  }
0x8c: {  	s17 =	sshll.u32 s0, $0xA;
	s2 =	sadd.s32 s3, s2  }
0x8d: {  	s2 =	sadd.s32 s2, s17  }
0x8e: {  	[smem:$0x3FBE] =	sst s2  }
0x8f: {  	_ = 	snop  }
0x90: {  	s2 =	sld [smem:$0x3FD0];
	(tm) =	ssettm $0x1  }
0x91: {  	s18 =	sld [smem:$0x3FFB];
	_ =	sdelay $0x3  }
0x92: {  	_ =	strace s18  }
0x93: {  	s3 =	sld [smem:$0x3FFC];
	_ =	sdelay $0x3  }
0x94: {  	_ =	strace s3  }
0x95: {  	s3 =	sld [smem:$0x3FFD];
	_ =	sdelay $0x3  }
0x96: {  	_ =	strace s3  }
0x97: {  	_ =	strace $0x8FFFFFFF  }
0x98: {  	s19 =	sld [smem:$0x3FDB];
	_ =	sdelay $0x1  }
0x99: {  	s4 =	simm.s32 $_scs_section_size  }
0x9a: {  	s5 =	simm.s32 $_size__tile_overlayer_lowered;
	s6 =	simm.s32 $_tile_overlayer_lowered  }
0x9b: {  	s22 =	simm.s32 $0x1BFF;
	s21 =	sshll.u32 s6, $0x1;
	s3 =	sadd.s32 s4, s19  }
0x9c: {  	s7 =	simm.s32 $0x0;
	s20 =	sshll.u32 s5, $0x1;
	s5 =	sadd.s32 s21, s3  }
0x9d: {  	[timem:s7], [sflag:s22] =	dma.local [hbm:s5], s20  }
0x9e: {  	_ =	swait.ge [sflag:s22], s20  }
0x9f: {  	s4 =	ssub.s32 $0x0, s20;
	[sflag:s22] =	ssyncset.done $0x0  }
0xa0: {  	[sflag:s22] =	ssyncadd.s32 s4;
	_ =	sdelay $0x1  }
0xa1: {  	s23 =	simm.s32 $0x1B8B  }
0xa2: {  	_ =	swait.ge [sflag:s23], $0x1  }
0xa3: {  	[sflag:s23] =	ssyncset.done $0x0  }
0xa4: {  	s25 =	simm.s32 $0x1B8E;
	s24 =	sld [smem:$0x3FFE];
	[sflag:s23] =	ssyncadd.s32 $0xFFFFFFFF  }
0xa5: {  	s26 =	simm.s32 $execute0_lowered;
	[smem:$0x3FD2] =	sst s25  }
0xa6: {  	s5 =	sshll.u32 s26, $0x1;
	_ =	strace $0x80000046;
	[dreg:$0x1] =	wrdreg $0xFFFFFFFF  }
0xa7: {  	s28 =	simm.s32 $_size_execute0_lowered;
	s3 =	sadd.s32 s3, s5;
	[dreg:$0x0] =	wrdreg $0x0  }
0xa8: {  	s5 =	sshll.u32 s28, $0x1;
	[dreg:$0x2] =	wrdreg s3  }
0xa9: {  	[dreg:$0x3] =	wrdreg s5  }
0xaa: {  	[dreg:$0x4] =	wrdreg $0xC0  }
0xab: {  	_ =	task [dreg:s7], $0x5FFFF  }
0xac: {  	[dreg:$0x1] =	wrdreg $0xFFFFFFFF  }
0xad: {  	[dreg:$0x0] =	wrdreg $0x60  }
0xae: {  	[dreg:$0x2] =	wrdreg s2  }
0xaf: {  	[dreg:$0x3] =	wrdreg s24  }
0xb0: {  	[dreg:$0x4] =	wrdreg $0x84000  }
0xb1: {  	[dreg:$0x5] =	wrdreg $0x9  }
0xb2: {  	_ =	task.clear_ibuf [dreg:s7], $0x6FFFF;
	_ =	strace $0x90000046  }
0xb3: {  	s29 =	simm.s32 $0x9;
	_ =	strace $0x8000004D  }
0xb4: {  	_ =	swait.ge [sflag:s29], $0x1  }
0xb5: {  	[sflag:s29] =	ssyncadd.s32 $0xFFFFFFFF  }
0xb6: {  	_ =	strace $0x9000004D  }
0xb7: {  	_ =	sfence  }
0xb8: {  	s30 =	sld [smem:$0x0];
	_ =	sdelay $0x2  }
0xb9: {  	s31 =	sshll.u32 s1, $0xD;
	s1 =	sshrl.u32 s1, $0x2  }
0xba: {  	s3 =	sand.u32 $0x4000, s31;
	s1 =	sadd.s32 s1, s30  }
0xbb: {  	s0 =	sor.u32 s3, s0;
	s1 =	sshll.u32 s1, $0x11  }
0xbc: {  	s0 =	sor.u32 s1, s0  }
0xbd: {  	s0 =	sadd.s32 $0x8F2B, s0  }
0xbe: {  	[sflag:s0] =	ssyncadd.remote.s32 $0x1  }
0xbf: {  	_ =	sfence.sel $0xFFFF  }
0xc0: {  	[dreg:$0x0] =	wrdreg $0xFFFFFFFF;
	(pc) =	sbr.abs _section_cstart, $3  }
0xc1: {  	[dreg:$0x1] =	wrdreg $0xFFFFFFFF  }
0xc2: {  	_ =	task.clear_ibuf [dreg:s7], $0x2FFFF;
	_ =	strace $0x9FFFFFFF  }
0xc3: {  	(tm) =	ssettm $0x7FFFFFFF  }
tec
execute0_lowered:
.L_overlay_start_1:
0x0: {  	(tag) =	ssettag $0x1  }
0x1: {  	s2 =	rddreg [dreg:$0x0]  }
0x2: {  	s0 =	rddreg [dreg:$0x1]  }
0x3: {  	s3 =	rddreg [dreg:$0x2]  }
0x4: {  	s13 =	stileid.u32;
	s1 =	srdreg.scid;
	s4 =	simm.s32 $0x0  }
0x5: {  	s30 =	simm.s32 $0x300;
	s31 =	simm.s32 $0x4400;
	s28 =	simm.s32 $0x1  }
0x6: {  	s1 =	sand.u32 $0x1, s1;
	s5 =	sshll.u32 s13, $0x1;
	s7 =	smul.u32 $0x2800, s13  }
0x7: {  	[smem:$0x7FF] =	sst s4;
	s13 =	smul.u32 $0x50000, s13;
	s8 =	sor.u32 s1, s5  }
0x8: {  	s6 =	sadd.s32 $0x1C00, s0;
	_ =	strace $0x80000047;
	s9 =	smul.u32 $0x4C, s8  }
0x9: {  	s5 =	sadd.s32 $0xBA00, s0;
	s14 =	ssub.s32 $0x2, s1;
	s10 =	smul.u32 $0x50, s8  }
0xa: {  	p0 =	slt.u32 s8, $0x11;
	s0 =	sadd.s32 s7, s0;
	s7 =	simm.s32 $0x28  }
0xb: {  	s15 =	sshrl.u32 s14, $0x1;
	s23 =	sshrl.u32 s13, $0x2;
	s7 =	simm.s32 @!p0 $0x26  }
0xc: {  	s24 =	sadd.s32 s23, s3;
	s25 =	sadd.s32 $0x15800, s0;
	s23 =	simm.s32 $0x5  }
0xd: {  	s8 =	sadd.s32 $0x44, s9;
	s9 =	ssub.s32 s14, s15;
	[dreg:$0xe] =	wrdreg s24  }
0xe: {  	[dreg:$0xf] =	wrdreg s25;
	s26 =	sadd.s32 $0xFFFFFFFF, s7;
	s29 =	sshll.u32 s7, $0x5  }
0xf: {  	s24 =	simm.s32 $0x200;
	s8 =	smov.u32 @p0 s10;
	p0 =	seq.s32 s1, $0x1  }
0x10: {  	s1 =	simm.s32 $0x65800;
	[dreg:$0x4] =	wrdreg s26;
	s9 =	smax.u32 s9, $0x1  }
0x11: {  	[dreg:$0x5] =	wrdreg s29;
	s8 =	sshll.u32 s8, $0x4;
	s1 =	simm.s32 @!p0 $0x3D800  }
0x12: {  	[dreg:$0x10] =	wrdreg s9;
	s16 =	sand.u32 $0x1FFFFFC0, s8;
	s0 =	sadd.s32 s1, s0  }
0x13: {  	s25 =	simm.s32 $0x80;
	s11 =	sadd.s32 s5, s16;
	[dreg:$0x11] =	wrdreg s0  }
0x14: {  	s17 =	sadd.s32 s6, s16;
	s18 =	sor.u32 $0x20, s16;
	[dreg:$0x6] =	wrdreg s11  }
0x15: {  	s26 =	simm.s32 $0x400;
	[dreg:$0x7] =	wrdreg s17;
	s12 =	sadd.s32 s5, s18  }
0x16: {  	s19 =	sor.u32 $0x10, s16;
	s11 =	sadd.s32 s6, s18;
	[dreg:$0x8] =	wrdreg s12  }
0x17: {  	s9 =	simm.s32 $0x0;
	s20 =	sadd.s32 s5, s19;
	[dreg:$0x9] =	wrdreg s11  }
0x18: {  	s10 =	sor.u32 $0x30, s16;
	s21 =	sadd.s32 s6, s19;
	[dreg:$0xa] =	wrdreg s20  }
0x19: {  	s1 =	simm.s32 $0x380;
	s22 =	sadd.s32 s5, s10;
	[dreg:$0xb] =	wrdreg s21  }
0x1a: {  	s0 =	simm.s32 $0x2;
	s10 =	sadd.s32 s6, s10;
	[dreg:$0xc] =	wrdreg s22  }
0x1b: {  	[dreg:$0xd] =	wrdreg s10;
	s21 =	sadd.s32 s8, s6;
	s22 =	sadd.s32 s8, s5  }
.LBB2_1:
0x1c: {  	_ =	strace $0x80000048  }
0x1d: {  	s10 =	rddreg [dreg:$0x6]  }
0x1e: {  	[tilespmem:s4], [sflag:$0x5] =	stream.linear.gather [hbm4b:s10+s4], $0x80, $0x200038;
	[tilespmem:$0x1C400] =	vst v63  }
0x1f: {  	_ =	swait.ge [sflag:s23], $0x80  }
0x20: {  	[sflag:s23] =	ssyncset.done $0x0  }
0x21: {  	s19 =	rddreg [dreg:$0x7];
	[sflag:s23] =	ssyncadd.s32 $0xFFFFFF80  }
0x22: {  	[tilespmem:s24], [sflag:$0x5] =	stream.linear.gather [hbm4b:s19+s4], $0x80, $0x200038;
	[tilespmem:$0x1C400] =	vst v63  }
0x23: {  	_ =	swait.ge [sflag:s23], $0x80  }
0x24: {  	[sflag:s23] =	ssyncset.done $0x0  }
0x25: {  	[sflag:s23] =	ssyncadd.s32 $0xFFFFFF80  }
0x26: {  	[tilespmem:s26], [sflag:$0x1] =	stream.indirect.gather [hbm4b:s2+s25], $0x80, s4, s25, $0x2000b8;
	[tilespmem:$0x1C400] =	vst v63  }
0x27: {  	s20 =	rddreg [dreg:$0x8]  }
0x28: {  	[tilespmem:s25], [sflag:$0x3] =	stream.linear.gather [hbm4b:s20+s4], $0x80, $0x200038;
	[tilespmem:$0x1C400] =	vst v63  }
0x29: {  	s11 =	simm.s32 $0x280;
	s29 =	rddreg [dreg:$0x9]  }
0x2a: {  	[tilespmem:s11], [sflag:$0x3] =	stream.linear.gather [hbm4b:s29+s4], $0x80, $0x200038;
	[tilespmem:$0x1C400] =	vst v63  }
0x2b: {  	s12 =	simm.s32 $0x100;
	s11 =	rddreg [dreg:$0xa]  }
0x2c: {  	[tilespmem:s12], [sflag:$0x5] =	stream.linear.gather [hbm4b:s11+s4], $0x80, $0x200038;
	[tilespmem:$0x1C400] =	vst v63  }
0x2d: {  	_ =	swait.ge [sflag:s23], $0x80  }
0x2e: {  	[sflag:s23] =	ssyncset.done $0x0  }
0x2f: {  	s13 =	rddreg [dreg:$0xb];
	[sflag:s23] =	ssyncadd.s32 $0xFFFFFF80  }
0x30: {  	[tilespmem:s30], [sflag:$0x5] =	stream.linear.gather [hbm4b:s13+s4], $0x80, $0x200038;
	[tilespmem:$0x1C400] =	vst v63  }
0x31: {  	_ =	swait.ge [sflag:s23], $0x80  }
0x32: {  	[sflag:s23] =	ssyncset.done $0x0  }
0x33: {  	[sflag:s23] =	ssyncadd.s32 $0xFFFFFF80  }
0x34: {  	[tilespmem:s31], [sflag:$0x2] =	stream.indirect.gather [hbm4b:s2+s25], $0x80, s12, s25, $0x2000b8;
	[tilespmem:$0x1C400] =	vst v63  }
0x35: {  	s15 =	simm.s32 $0x180;
	s17 =	stileid.u32;
	s14 =	rddreg [dreg:$0xc]  }
0x36: {  	[tilespmem:s15], [sflag:$0x4] =	stream.linear.gather [hbm4b:s14+s4], $0x80, $0x200038;
	[tilespmem:$0x1C400] =	vst v63  }
0x37: {  	s10 =	sshll.u32 s17, $0x6;
	s16 =	rddreg [dreg:$0xd]  }
0x38: {  	[tilespmem:s1], [sflag:$0x4] =	stream.linear.gather [hbm4b:s16+s4], $0x80, $0x200038;
	[tilespmem:$0x1C400] =	vst v63  }
0x39: {  	s18 =	sor.u32 $0x1C05, s10;
	_ =	strace $0x90000048  }
0x3a: {  	_ =	strace $0x80000049;
	[dreg:$0x12] =	wrdreg s18  }
0x3b: {  	s19 =	rddreg [dreg:$0xe]  }
0x3c: {  	s20 =	rddreg [dreg:$0xf];
	s12 =	sshrl.u32 s19, $0x3  }
0x3d: {  	[dreg:$0x13] =	wrdreg s12  }
0x3e: {  	[spmem:s12], [sflag:s18] =	dma.local [hbm:s20], $0x2800  }
0x3f: {  	_ =	swait.ge [sflag:s23], $0x2800  }
0x40: {  	[sflag:s23] =	ssyncset.done $0x0  }
0x41: {  	[sflag:s23] =	ssyncadd.s32 $0xFFFFD800  }
0x42: {  	_ =	strace $0x90000049  }
0x43: {  	_ =	strace $0x8000004A  }
0x44: {  	[bflag:$0x0] =	sbarrier.arrive $0xFFFF  }
0x45: {  	_ =	strace $0x9000004A  }
0x46: {  	_ =	strace $0x8000004B  }
0x47: {  	_ =	swait.ge [sflag:s28], $0x4000  }
0x48: {  	[sflag:s28] =	ssyncset.done $0x0  }
0x49: {  	[sflag:s28] =	ssyncadd.s32 $0xFFFFC000  }
0x4a: {  	[spmem:s3] =	stream.indirect.scatter.add.f32 [tilespmem:s26], [sflag:$0x5], $0x80, s24, s25, $0x2000b8;
	[tilespmem:$0x1C400] =	vst v63  }
0x4b: {  	_ =	swait.ge [sflag:s23], $0x4000  }
0x4c: {  	s29 =	rddreg [dreg:$0x4]  }
0x4d: {  	[sflag:s23] =	ssyncset.done $0x0;
	p1 =	sle.u32 s29, $0x0  }
0x4e: {  	[sflag:s23] =	ssyncadd.s32 $0xFFFFC000;
	s12 =	simm.s32 @!p1 $0x3  }
0x4f: {  	_ =	swait.ge @!p1 [sflag:s12], $0x80  }
0x50: {  	[sflag:s12] =	ssyncset.done @!p1 $0x0  }
0x51: {  	[sflag:s12] =	ssyncadd.s32 @!p1 $0xFFFFFF80  }
0x52: {  	p0 =	sle.u32 s7, $0x2;
	_ =	swait.ge @!p1 [sflag:s12], $0x80  }
0x53: {  	s15 =	sadd.s32 @!p0 $0x0, s22;
	[sflag:s12] =	ssyncset.done @!p1 $0x0  }
0x54: {  	s13 =	simm.s32 @!p1 $0x400;
	s14 =	simm.s32 @!p1 $0x80;
	[sflag:s12] =	ssyncadd.s32 @!p1 $0xFFFFFF80  }
0x55: {  	[tilespmem:s13], [sflag:$0x1] =	stream.indirect.gather @!p1 [hbm4b:s2+s14], $0x80, s14, s14, $0x2000b8;
	[tilespmem:$0x1C400] =	vst v63  }
0x56: {  	s12 =	simm.s32 @!p0 $0x0;
	s13 =	sadd.s32 @!p0 $0x40, s15;
	s15 =	sadd.s32 @!p0 $0x0, s21  }
0x57: {  	[tilespmem:s12], [sflag:$0x3] =	stream.linear.gather @!p0 [hbm4b:s13+s12], $0x80, $0x200038;
	[tilespmem:$0x1C400] =	vst v63  }
0x58: {  	s13 =	sadd.s32 @!p0 $0x40, s15;
	s15 =	simm.s32 @!p0 $0x200  }
0x59: {  	[tilespmem:s15], [sflag:$0x3] =	stream.linear.gather @!p0 [hbm4b:s13+s12], $0x80, $0x200038;
	[tilespmem:$0x1C400] =	vst v63  }
0x5a: {  	_ =	swait.ge [sflag:s0], $0x4000  }
0x5b: {  	[sflag:s0] =	ssyncset.done $0x0  }
0x5c: {  	[sflag:s0] =	ssyncadd.s32 $0xFFFFC000  }
0x5d: {  	[spmem:s3] =	stream.indirect.scatter.add.f32 [tilespmem:s31], [sflag:$0x5], $0x80, s30, s25, $0x2000b8;
	[tilespmem:$0x1C400] =	vst v63  }
0x5e: {  	_ =	swait.ge [sflag:s23], $0x4000  }
0x5f: {  	[sflag:s23] =	ssyncset.done $0x0  }
0x60: {  	s13 =	simm.s32 @!p1 $0x4;
	[sflag:s23] =	ssyncadd.s32 $0xFFFFC000  }
0x61: {  	_ =	swait.ge @!p1 [sflag:s13], $0x80  }
0x62: {  	[sflag:s13] =	ssyncset.done @!p1 $0x0  }
0x63: {  	[sflag:s13] =	ssyncadd.s32 @!p1 $0xFFFFFF80  }
0x64: {  	_ =	swait.ge @!p1 [sflag:s13], $0x80  }
0x65: {  	s17 =	simm.s32 @p0 $0x1;
	[sflag:s13] =	ssyncset.done @!p1 $0x0  }
0x66: {  	s16 =	simm.s32 @!p1 $0x4400;
	s15 =	simm.s32 @!p1 $0x180;
	[sflag:s13] =	ssyncadd.s32 @!p1 $0xFFFFFF80  }
0x67: {  	[tilespmem:s16], [sflag:$0x2] =	stream.indirect.gather @!p1 [hbm4b:s2+s14], $0x80, s15, s14, $0x2000b8;
	[tilespmem:$0x1C400] =	vst v63  }
0x68: {  	s13 =	sadd.s32 @!p0 $0x0, s8;
	_ =	swait.ge @p0 [sflag:s17], $0x4000  }
0x69: {  	s14 =	simm.s32 @p0 $0x80;
	s15 =	simm.s32 @p0 $0x280;
	[sflag:s17] =	ssyncset.done @p0 $0x0  }
0x6a: {  	s16 =	simm.s32 @p0 $0x5;
	[sflag:s17] =	ssyncadd.s32 @p0 $0xFFFFC000;
	s17 =	simm.s32 @p0 $0x400  }
0x6b: {  	[spmem:s3] =	stream.indirect.scatter.add.f32 @p0 [tilespmem:s17], [sflag:$0x5], $0x80, s15, s14, $0x2000b8;
	[tilespmem:$0x1C400] =	vst v63  }
0x6c: {  	s13 =	sadd.s32 @!p0 $0x40, s13;
	_ =	swait.ge @p0 [sflag:s16], $0x4000  }
0x6d: {  	s13 =	sor.u32 @!p0 $0x10, s13;
	[sflag:s16] =	ssyncset.done @p0 $0x0  }
0x6e: {  	s14 =	sadd.s32 @!p0 s5, s13;
	s15 =	simm.s32 @!p0 $0x100;
	[sflag:s16] =	ssyncadd.s32 @p0 $0xFFFFC000  }
0x6f: {  	[tilespmem:s15], [sflag:$0x4] =	stream.linear.gather @!p0 [hbm4b:s14+s12], $0x80, $0x200038;
	[tilespmem:$0x1C400] =	vst v63  }
0x70: {  	s13 =	sadd.s32 @!p0 s6, s13;
	s16 =	simm.s32 @!p0 $0x1;
	s14 =	simm.s32 @!p0 $0x300  }
0x71: {  	[tilespmem:s14], [sflag:$0x4] =	stream.linear.gather @!p0 [hbm4b:s13+s12], $0x80, $0x200038;
	[tilespmem:$0x1C400] =	vst v63  }
0x72: {  	_ =	swait.ge @!p0 [sflag:s16], $0x4000  }
0x73: {  	s17 =	simm.s32 @!p0 $0x5;
	s13 =	simm.s32 @!p0 $0x80;
	[sflag:s16] =	ssyncset.done @!p0 $0x0  }
0x74: {  	s14 =	simm.s32 @!p0 $0x280;
	[sflag:s16] =	ssyncadd.s32 @!p0 $0xFFFFC000;
	s16 =	simm.s32 @!p0 $0x400  }
0x75: {  	[spmem:s3] =	stream.indirect.scatter.add.f32 @!p0 [tilespmem:s16], [sflag:$0x5], $0x80, s14, s13, $0x2000b8;
	[tilespmem:$0x1C400] =	vst v63  }
0x76: {  	_ =	swait.ge @!p0 [sflag:s17], $0x4000  }
0x77: {  	[sflag:s17] =	ssyncset.done @!p0 $0x0  }
0x78: {  	s14 =	simm.s32 @!p0 $0x3;
	[sflag:s17] =	ssyncadd.s32 @!p0 $0xFFFFC000  }
0x79: {  	_ =	swait.ge @!p0 [sflag:s14], $0x80  }
0x7a: {  	[sflag:s14] =	ssyncset.done @!p0 $0x0  }
0x7b: {  	[sflag:s14] =	ssyncadd.s32 @!p0 $0xFFFFFF80  }
0x7c: {  	p1 =	sle.u32 s7, $0x3;
	_ =	swait.ge @!p0 [sflag:s14], $0x80  }
0x7d: {  	s17 =	sadd.s32 @!p1 $0x0, s22;
	[sflag:s14] =	ssyncset.done @!p0 $0x0  }
0x7e: {  	[sflag:s14] =	ssyncadd.s32 @!p0 $0xFFFFFF80;
	s14 =	sadd.s32 @!p1 $0x60, s17  }
0x7f: {  	[tilespmem:s16], [sflag:$0x1] =	stream.indirect.gather @!p0 [hbm4b:s2+s13], $0x80, s12, s13, $0x2000b8;
	[tilespmem:$0x1C400] =	vst v63  }
0x80: {  	s17 =	sadd.s32 @!p1 $0x0, s21;
	s12 =	simm.s32 @!p1 $0x80;
	s16 =	simm.s32 @!p1 $0x0  }
0x81: {  	[tilespmem:s12], [sflag:$0x3] =	stream.linear.gather @!p1 [hbm4b:s14+s16], $0x80, $0x200038;
	[tilespmem:$0x1C400] =	vst v63  }
0x82: {  	s12 =	simm.s32 @!p1 $0x280;
	s14 =	sadd.s32 @!p1 $0x60, s17  }
0x83: {  	[tilespmem:s12], [sflag:$0x3] =	stream.linear.gather @!p1 [hbm4b:s14+s16], $0x80, $0x200038;
	[tilespmem:$0x1C400] =	vst v63  }
0x84: {  	_ =	swait.ge [sflag:s0], $0x4000  }
0x85: {  	[sflag:s0] =	ssyncset.done $0x0  }
0x86: {  	[sflag:s0] =	ssyncadd.s32 $0xFFFFC000  }
0x87: {  	[spmem:s3] =	stream.indirect.scatter.add.f32 [tilespmem:s31], [sflag:$0x5], $0x80, s1, s25, $0x2000b8;
	[tilespmem:$0x1C400] =	vst v63  }
0x88: {  	_ =	swait.ge [sflag:s23], $0x4000  }
0x89: {  	[sflag:s23] =	ssyncset.done $0x0  }
0x8a: {  	s12 =	simm.s32 @!p0 $0x4;
	[sflag:s23] =	ssyncadd.s32 $0xFFFFC000  }
0x8b: {  	_ =	swait.ge @!p0 [sflag:s12], $0x80  }
0x8c: {  	[sflag:s12] =	ssyncset.done @!p0 $0x0  }
0x8d: {  	[sflag:s12] =	ssyncadd.s32 @!p0 $0xFFFFFF80  }
0x8e: {  	_ =	swait.ge @!p0 [sflag:s12], $0x80  }
0x8f: {  	[sflag:s12] =	ssyncset.done @!p0 $0x0  }
0x90: {  	s17 =	simm.s32 @!p0 $0x4400;
	s18 =	rddreg [dreg:$0x5];
	[sflag:s12] =	ssyncadd.s32 @!p0 $0xFFFFFF80  }
0x91: {  	[tilespmem:s17], [sflag:$0x2] =	stream.indirect.gather @!p0 [hbm4b:s2+s13], $0x80, s15, s13, $0x2000b8;
	[tilespmem:$0x1C400] =	vst v63  }
0x92: {  	p0 =	sne.s32 s18, $0x40  }
.Ltmp0:
0x93: {  	_ = 	snop;
	(pc) =	sbr.rel @!p0 .LBB2_3-.Ltmp0, $4  }
0x94: {  	s14 =	sadd.s32 @!p1 $0x0, s8  }
0x95: {  	s19 =	simm.s32 @!p1 $0x380;
	s14 =	sadd.s32 @!p1 $0x60, s14  }
0x96: {  	s12 =	simm.s32 $0x40;
	s13 =	simm.s32 $0x2;
	s15 =	sor.u32 @!p1 $0x10, s14  }
0x97: {  	s14 =	sadd.s32 @!p1 s5, s15;
	s20 =	sadd.s32 @!p1 s6, s15;
	s15 =	simm.s32 @!p1 $0x180  }
.LBB2_2:
0x98: {  	[tilespmem:s15], [sflag:$0x4] =	stream.linear.gather @!p1 [hbm4b:s14+s16], $0x80, $0x200038;
	[tilespmem:$0x1C400] =	vst v63  }
0x99: {  	_ = 	snop  }
0x9a: {  	[tilespmem:s19], [sflag:$0x4] =	stream.linear.gather @!p1 [hbm4b:s20+s16], $0x80, $0x200038;
	[tilespmem:$0x1C400] =	vst v63  }
0x9b: {  	_ =	swait.ge [sflag:s28], $0x4000  }
0x9c: {  	[sflag:s28] =	ssyncset.done $0x0  }
0x9d: {  	[sflag:s28] =	ssyncadd.s32 $0xFFFFC000  }
0x9e: {  	[spmem:s3] =	stream.indirect.scatter.add.f32 [tilespmem:s26], [sflag:$0x5], $0x80, s24, s25, $0x2000b8;
	[tilespmem:$0x1C400] =	vst v63  }
0x9f: {  	_ =	swait.ge [sflag:s23], $0x4000  }
0xa0: {  	s29 =	rddreg [dreg:$0x4]  }
0xa1: {  	[sflag:s23] =	ssyncset.done $0x0;
	p1 =	sge.u32 s13, s29  }
0xa2: {  	[sflag:s23] =	ssyncadd.s32 $0xFFFFC000;
	s17 =	simm.s32 @!p1 $0x3  }
0xa3: {  	_ =	swait.ge @!p1 [sflag:s17], $0x80  }
0xa4: {  	[sflag:s17] =	ssyncset.done @!p1 $0x0  }
0xa5: {  	s14 =	smov.u32 s12;
	[sflag:s17] =	ssyncadd.s32 @!p1 $0xFFFFFF80  }
0xa6: {  	s15 =	smov.u32 s13;
	s13 =	sadd.s32 $0x2, s13;
	_ =	swait.ge @!p1 [sflag:s17], $0x80  }
0xa7: {  	s18 =	simm.s32 @!p1 $0x400;
	p0 =	sge.u32 s13, s7;
	[sflag:s17] =	ssyncset.done @!p1 $0x0  }
0xa8: {  	s19 =	simm.s32 @!p1 $0x80;
	s20 =	sadd.s32 @!p0 s14, s22;
	[sflag:s17] =	ssyncadd.s32 @!p1 $0xFFFFFF80  }
0xa9: {  	[tilespmem:s18], [sflag:$0x1] =	stream.indirect.gather @!p1 [hbm4b:s2+s19], $0x80, s19, s19, $0x2000b8;
	[tilespmem:$0x1C400] =	vst v63  }
0xaa: {  	s16 =	simm.s32 @!p0 $0x0;
	s17 =	sadd.s32 @!p0 $0x40, s20;
	s20 =	sadd.s32 @!p0 s14, s21  }
0xab: {  	[tilespmem:s16], [sflag:$0x3] =	stream.linear.gather @!p0 [hbm4b:s17+s16], $0x80, $0x200038;
	[tilespmem:$0x1C400] =	vst v63  }
0xac: {  	s18 =	sadd.s32 @!p0 $0x40, s20;
	s17 =	simm.s32 @!p0 $0x200  }
0xad: {  	[tilespmem:s17], [sflag:$0x3] =	stream.linear.gather @!p0 [hbm4b:s18+s16], $0x80, $0x200038;
	[tilespmem:$0x1C400] =	vst v63  }
0xae: {  	_ =	swait.ge [sflag:s0], $0x4000  }
0xaf: {  	s20 =	sadd.s32 @!p0 s14, s8;
	[sflag:s0] =	ssyncset.done $0x0  }
0xb0: {  	s20 =	sadd.s32 @!p0 $0x40, s20;
	[sflag:s0] =	ssyncadd.s32 $0xFFFFC000  }
0xb1: {  	[spmem:s3] =	stream.indirect.scatter.add.f32 [tilespmem:s31], [sflag:$0x5], $0x80, s30, s25, $0x2000b8;
	[tilespmem:$0x1C400] =	vst v63  }
0xb2: {  	s17 =	sor.u32 @!p0 $0x10, s20;
	_ =	swait.ge [sflag:s23], $0x4000  }
0xb3: {  	s18 =	sadd.s32 @!p0 s5, s17;
	[sflag:s23] =	ssyncset.done $0x0  }
0xb4: {  	s20 =	sadd.s32 @!p0 s6, s17;
	s17 =	simm.s32 @!p1 $0x4;
	[sflag:s23] =	ssyncadd.s32 $0xFFFFC000  }
0xb5: {  	_ =	swait.ge @!p1 [sflag:s17], $0x80  }
0xb6: {  	[sflag:s17] =	ssyncset.done @!p1 $0x0  }
0xb7: {  	[sflag:s17] =	ssyncadd.s32 @!p1 $0xFFFFFF80  }
0xb8: {  	_ =	swait.ge @!p1 [sflag:s17], $0x80  }
0xb9: {  	s29 =	simm.s32 @!p1 $0x180;
	[sflag:s17] =	ssyncset.done @!p1 $0x0  }
0xba: {  	s10 =	simm.s32 @!p1 $0x4400;
	s11 =	simm.s32 @p0 $0x1;
	[sflag:s17] =	ssyncadd.s32 @!p1 $0xFFFFFF80  }
0xbb: {  	[tilespmem:s10], [sflag:$0x2] =	stream.indirect.gather @!p1 [hbm4b:s2+s19], $0x80, s29, s19, $0x2000b8;
	[tilespmem:$0x1C400] =	vst v63  }
0xbc: {  	_ =	swait.ge @p0 [sflag:s11], $0x4000  }
0xbd: {  	s17 =	simm.s32 @p0 $0x280;
	s10 =	simm.s32 @p0 $0x80;
	[sflag:s11] =	ssyncset.done @p0 $0x0  }
0xbe: {  	s19 =	simm.s32 @p0 $0x5;
	[sflag:s11] =	ssyncadd.s32 @p0 $0xFFFFC000;
	s11 =	simm.s32 @p0 $0x400  }
0xbf: {  	[spmem:s3] =	stream.indirect.scatter.add.f32 @p0 [tilespmem:s11], [sflag:$0x5], $0x80, s17, s10, $0x2000b8;
	[tilespmem:$0x1C400] =	vst v63  }
0xc0: {  	_ =	swait.ge @p0 [sflag:s19], $0x4000  }
0xc1: {  	[sflag:s19] =	ssyncset.done @p0 $0x0  }
0xc2: {  	s17 =	simm.s32 @!p0 $0x100;
	[sflag:s19] =	ssyncadd.s32 @p0 $0xFFFFC000  }
0xc3: {  	[tilespmem:s17], [sflag:$0x4] =	stream.linear.gather @!p0 [hbm4b:s18+s16], $0x80, $0x200038;
	[tilespmem:$0x1C400] =	vst v63  }
0xc4: {  	s10 =	simm.s32 @!p0 $0x300;
	s11 =	simm.s32 @!p0 $0x1  }
0xc5: {  	[tilespmem:s10], [sflag:$0x4] =	stream.linear.gather @!p0 [hbm4b:s20+s16], $0x80, $0x200038;
	[tilespmem:$0x1C400] =	vst v63  }
0xc6: {  	_ =	swait.ge @!p0 [sflag:s11], $0x4000  }
0xc7: {  	s19 =	simm.s32 @!p0 $0x5;
	s18 =	simm.s32 @!p0 $0x80;
	[sflag:s11] =	ssyncset.done @!p0 $0x0  }
0xc8: {  	s10 =	simm.s32 @!p0 $0x280;
	[sflag:s11] =	ssyncadd.s32 @!p0 $0xFFFFC000;
	s11 =	simm.s32 @!p0 $0x400  }
0xc9: {  	[spmem:s3] =	stream.indirect.scatter.add.f32 @!p0 [tilespmem:s11], [sflag:$0x5], $0x80, s10, s18, $0x2000b8;
	[tilespmem:$0x1C400] =	vst v63  }
0xca: {  	_ =	swait.ge @!p0 [sflag:s19], $0x4000  }
0xcb: {  	[sflag:s19] =	ssyncset.done @!p0 $0x0  }
0xcc: {  	s10 =	simm.s32 @!p0 $0x3;
	[sflag:s19] =	ssyncadd.s32 @!p0 $0xFFFFC000  }
0xcd: {  	_ =	swait.ge @!p0 [sflag:s10], $0x80  }
0xce: {  	[sflag:s10] =	ssyncset.done @!p0 $0x0  }
0xcf: {  	s15 =	sadd.s32 $0x3, s15;
	[sflag:s10] =	ssyncadd.s32 @!p0 $0xFFFFFF80  }
0xd0: {  	p1 =	sge.u32 s15, s7;
	_ =	swait.ge @!p0 [sflag:s10], $0x80  }
0xd1: {  	s15 =	sadd.s32 @!p1 s14, s22;
	[sflag:s10] =	ssyncset.done @!p0 $0x0  }
0xd2: {  	[sflag:s10] =	ssyncadd.s32 @!p0 $0xFFFFFF80;
	s10 =	sadd.s32 @!p1 $0x60, s15  }
0xd3: {  	[tilespmem:s11], [sflag:$0x1] =	stream.indirect.gather @!p0 [hbm4b:s2+s18], $0x80, s16, s18, $0x2000b8;
	[tilespmem:$0x1C400] =	vst v63  }
0xd4: {  	s15 =	simm.s32 @!p1 $0x80;
	s16 =	simm.s32 @!p1 $0x0;
	s11 =	sadd.s32 @!p1 s14, s21  }
0xd5: {  	[tilespmem:s15], [sflag:$0x3] =	stream.linear.gather @!p1 [hbm4b:s10+s16], $0x80, $0x200038;
	[tilespmem:$0x1C400] =	vst v63  }
0xd6: {  	s20 =	simm.s32 @!p1 $0x280;
	s10 =	sadd.s32 @!p1 $0x60, s11  }
0xd7: {  	[tilespmem:s20], [sflag:$0x3] =	stream.linear.gather @!p1 [hbm4b:s10+s16], $0x80, $0x200038;
	[tilespmem:$0x1C400] =	vst v63  }
0xd8: {  	_ =	swait.ge [sflag:s0], $0x4000  }
0xd9: {  	s14 =	sadd.s32 @!p1 s14, s8;
	[sflag:s0] =	ssyncset.done $0x0  }
0xda: {  	s11 =	sadd.s32 @!p1 $0x60, s14;
	[sflag:s0] =	ssyncadd.s32 $0xFFFFC000  }
0xdb: {  	[spmem:s3] =	stream.indirect.scatter.add.f32 [tilespmem:s31], [sflag:$0x5], $0x80, s1, s25, $0x2000b8;
	[tilespmem:$0x1C400] =	vst v63  }
0xdc: {  	s10 =	sor.u32 @!p1 $0x10, s11;
	_ =	swait.ge [sflag:s23], $0x4000  }
0xdd: {  	s14 =	sadd.s32 @!p1 s5, s10;
	[sflag:s23] =	ssyncset.done $0x0  }
0xde: {  	s20 =	sadd.s32 @!p1 s6, s10;
	s10 =	simm.s32 @!p0 $0x4;
	[sflag:s23] =	ssyncadd.s32 $0xFFFFC000  }
0xdf: {  	_ =	swait.ge @!p0 [sflag:s10], $0x80  }
0xe0: {  	[sflag:s10] =	ssyncset.done @!p0 $0x0  }
0xe1: {  	[sflag:s10] =	ssyncadd.s32 @!p0 $0xFFFFFF80  }
0xe2: {  	_ =	swait.ge @!p0 [sflag:s10], $0x80  }
0xe3: {  	s12 =	sadd.s32 $0x40, s12;
	[sflag:s10] =	ssyncset.done @!p0 $0x0  }
0xe4: {  	s11 =	simm.s32 @!p0 $0x4400;
	s29 =	rddreg [dreg:$0x5];
	[sflag:s10] =	ssyncadd.s32 @!p0 $0xFFFFFF80  }
0xe5: {  	[tilespmem:s11], [sflag:$0x2] =	stream.indirect.gather @!p0 [hbm4b:s2+s18], $0x80, s17, s18, $0x2000b8;
	[tilespmem:$0x1C400] =	vst v63  }
0xe6: {  	p0 =	sne.s32 s29, s12  }
.Ltmp1:
0xe7: {  	_ = 	snop;
	(pc) =	sbr.rel @p0 .LBB2_2-.Ltmp1, $2  }
0xe8: {  	_ =	sdelay $0x2  }
0xe9: {  	s19 =	simm.s32 @!p1 $0x380;
	s15 =	simm.s32 @!p1 $0x180  }
.LBB2_3:
0xea: {  	[tilespmem:s15], [sflag:$0x4] =	stream.linear.gather @!p1 [hbm4b:s14+s16], $0x80, $0x200038;
	[tilespmem:$0x1C400] =	vst v63  }
0xeb: {  	_ = 	snop  }
0xec: {  	[tilespmem:s19], [sflag:$0x4] =	stream.linear.gather @!p1 [hbm4b:s20+s16], $0x80, $0x200038;
	[tilespmem:$0x1C400] =	vst v63  }
0xed: {  	_ =	strace $0x9000004B  }
0xee: {  	_ =	strace $0x8000004C  }
0xef: {  	[bflag:$0x0] =	sbarrier.arrive $0xFFFF  }
0xf0: {  	_ =	strace $0x9000004C  }
0xf1: {  	s10 =	rddreg [dreg:$0x11]  }
0xf2: {  	s11 =	rddreg [dreg:$0x12]  }
0xf3: {  	s12 =	rddreg [dreg:$0x13]  }
0xf4: {  	[hbm:s10], [sflag:s11] =	dma.local [spmem:s12], $0x2800  }
0xf5: {  	_ =	swait.ge [sflag:s23], $0x2800  }
0xf6: {  	s9 =	sadd.s32 $0x1, s9;
	s29 =	rddreg [dreg:$0x10]  }
0xf7: {  	p0 =	sne.s32 s9, s29  }
.Ltmp2:
0xf8: {  	_ = 	snop;
	(pc) =	sbr.rel @p0 .LBB2_1-.Ltmp2, $3  }
0xf9: {  	_ =	sdelay $0x1  }
0xfa: {  	[sflag:s23] =	ssyncset.done $0x0  }
0xfb: {  	[sflag:s23] =	ssyncadd.s32 $0xFFFFD800  }
0xfc: {  	_ =	sfence.sel $0x180000  }
0xfd: {  	[bflag:$0x0] =	sbarrier.arrive $0xFFFF  }
0xfe: {  	_ =	strace $0x90000047  }
0xff: {  	s0 =	stileid.u32;
	[bflag:$0x2] =	sbarrier.arrive $0xFFFF  }
0x100: {  	p0 =	sne.s32 s0, $0x0;
	s0 =	rddreg [dreg:$0x3]  }
0x101: {  	s0 =	sadd.s32 @!p0 $0x100000, s0  }
0x102: {  	[sflag:s0] =	ssyncadd.tile.s32 @!p0 $0x1;
	_ =	shalt  }
.Lfunc_end2:
_tile_overlayer_lowered:
.L_overlay_start_2:
0x103: {  	(tag) =	ssettag $0x2  }
0x104: {  	s0 =	rddreg [dreg:$0x0];
	s2 =	stileid.u32  }
0x105: {  	s1 =	rddreg [dreg:$0x1];
	p0 =	sne.s32 s2, $0x0  }
0x106: {  	s3 =	rddreg [dreg:$0x2];
	[bflag:$0x3] =	sbarrier.arrive $0xFFFF;
	s2 =	simm.s32 @!p0 $0x1C05  }
0x107: {  	[timem:s3], [sflag:s2] =	dma.local @!p0 [hbm:s0], s1  }
0x108: {  	s0 =	simm.s32 @!p0 $0x5  }
0x109: {  	_ =	swait.ge @!p0 [sflag:s0], s1  }
0x10a: {  	s1 =	ssub.s32 @!p0 $0x0, s1;
	[sflag:s0] =	ssyncset.done @!p0 $0x0  }
0x10b: {  	[sflag:s0] =	ssyncadd.s32 @!p0 s1  }
0x10c: {  	[bflag:$0x3] =	sbarrier.arrive $0xFFFF  }
0x10d: {  	_ =	shalt  }

</sc_bundles>
